<compile_context>
chip_gen: v7x
topology: tpu7x:2x2x1
jax: 0.10.2.dev20260603
libtpu: 0.0.44.dev20260713+nightly
codegen_flags: <defaults>
</compile_context>

<pallas_src>
import functools

import jax
import jax.numpy as jnp
from jax import lax
from jax.experimental import pallas as pl
from jax.experimental.pallas import tpu as pltpu
from jax.experimental.pallas import tpu_sc as plsc

NC, NS, L = 2, 16, 16
NW = NC * NS
N = 8192
H = 2048
HG = 1024
HQ = 512
TPW = N // NW
CH = L
NCHUNK = TPW // CH
UNROLL = 8
INV_H = 1.0 / H
EPS = 1e-12


def _rsqrt(x):
    xh = x * 0.5
    i = plsc.bitcast(x, jnp.int32)
    i = jnp.int32(0x5F3759DF) - (i >> 1)
    y = plsc.bitcast(i, jnp.float32)
    for _ in range(3):
        y = y * (1.5 - xh * y * y)
    return y


@functools.partial(
    pl.kernel,
    out_type=jax.ShapeDtypeStruct((N, H), jnp.float32),
    mesh=plsc.VectorSubcoreMesh(
        core_axis_name="c", subcore_axis_name="s", num_cores=NC, num_subcores=NS
    ),
    compiler_params=pltpu.CompilerParams(
        use_tc_tiling_on_sc=False, needs_layout_passes=False
    ),
    scratch_types=[
        pltpu.VMEM((TPW,), jnp.int32),
        pltpu.VMEM((TPW,), jnp.int32),
        pltpu.VMEM((TPW,), jnp.int32),
        pltpu.VMEM((CH, HG), jnp.float32),
        pltpu.VMEM((CH, HQ), jnp.float32),
        pltpu.VMEM((CH, HQ), jnp.float32),
        pltpu.VMEM((H,), jnp.float32),
        pltpu.VMEM((H,), jnp.float32),
        pltpu.SemaphoreType.DMA,
        pltpu.SemaphoreType.DMA,
        pltpu.SemaphoreType.DMA,
    ],
)
def _embed_ln(gate_hbm, qub_hbm, ids_hbm, tt_hbm, pos_hbm, gam_hbm, bet_hbm,
              out_hbm, ids_v, tt_v, pos_v, gbuf, q1buf, q2buf, gam_v, bet_v,
              sem0, sem1, sem2):
    wid = lax.axis_index("s") * NC + lax.axis_index("c")
    base = wid * TPW
    pltpu.sync_copy(gam_hbm, gam_v)
    pltpu.sync_copy(bet_hbm, bet_v)
    pltpu.sync_copy(ids_hbm.at[pl.ds(base, TPW)], ids_v)
    pltpu.sync_copy(tt_hbm.at[pl.ds(base, TPW)], tt_v)
    pltpu.sync_copy(pos_hbm.at[pl.ds(base, TPW)], pos_v)

    rows = lax.iota(jnp.int32, L)

    def reduce_body(buf):
        def body(jb, carry):
            a, a2 = carry
            for u in range(UNROLL):
                col = jnp.full((L,), jb * UNROLL + u, jnp.int32)
                x = plsc.load_gather(buf, [rows, col])
                a = a + x
                a2 = a2 + x * x
            return a, a2
        return body

    def norm_body(buf, coff, msp, isp):
        def body(jb, _):
            o = jb * L
            g = gam_v[pl.ds(coff + o, L)]
            b = bet_v[pl.ds(coff + o, L)]
            for t in range(L):
                x = buf[t, pl.ds(o, L)]
                y = (x - msp[t]) * isp[t] * g + b
                buf[t, pl.ds(o, L)] = y
            return 0
        return body

    def chunk_body(c, _):
        cs = c * CH
        cp0 = pltpu.async_copy(gate_hbm.at[ids_v.at[pl.ds(cs, CH)]], gbuf, sem0)
        cp1 = pltpu.async_copy(qub_hbm.at[tt_v.at[pl.ds(cs, CH)]], q1buf, sem1)
        cp2 = pltpu.async_copy(qub_hbm.at[pos_v.at[pl.ds(cs, CH)]], q2buf, sem2)
        cp0.wait()
        cp1.wait()
        cp2.wait()

        zero = jnp.zeros((L,), jnp.float32)
        acc, acc2 = lax.fori_loop(0, HG // UNROLL, reduce_body(gbuf), (zero, zero))
        acc, acc2 = lax.fori_loop(0, HQ // UNROLL, reduce_body(q1buf), (acc, acc2))
        acc, acc2 = lax.fori_loop(0, HQ // UNROLL, reduce_body(q2buf), (acc, acc2))
        mean = acc * INV_H
        var = acc2 * INV_H - mean * mean
        inv = _rsqrt(var + EPS)
        msp = [jnp.full((L,), mean[t]) for t in range(L)]
        isp = [jnp.full((L,), inv[t]) for t in range(L)]

        lax.fori_loop(0, HG // L, norm_body(gbuf, 0, msp, isp), 0)
        lax.fori_loop(0, HQ // L, norm_body(q1buf, HG, msp, isp), 0)
        lax.fori_loop(0, HQ // L, norm_body(q2buf, HG + HQ, msp, isp), 0)

        rb = base + cs
        pltpu.sync_copy(gbuf, out_hbm.at[pl.ds(rb, CH), pl.ds(0, HG)])
        pltpu.sync_copy(q1buf, out_hbm.at[pl.ds(rb, CH), pl.ds(HG, HQ)])
        pltpu.sync_copy(q2buf, out_hbm.at[pl.ds(rb, CH), pl.ds(HG + HQ, HQ)])
        return 0

    lax.fori_loop(0, NCHUNK, chunk_body, 0)


def kernel(input_ids, token_type_ids, position_ids, gate_table, qubit_table,
           ln_gamma, ln_beta):
    B, S = input_ids.shape
    ids = input_ids.reshape(-1).astype(jnp.int32)
    tts = token_type_ids.reshape(-1).astype(jnp.int32)
    pos = position_ids.reshape(-1).astype(jnp.int32)
    out = _embed_ln(gate_table, qubit_table, ids, tts, pos, ln_gamma, ln_beta)
    return out.reshape(B, S, H)

# --- scband reference (transcript-rebuilt; emitter-appended) ---
"""Pipeline reference for scband-qbert-embeddings-35459249995860 (READ-ONLY COPY).

The authoritative reference and input builder live on the scoring server;
editing this copy changes nothing except your own understanding.
"""

import jax, jax.numpy as jnp
import numpy as np

VOCAB = 100000
HIDDEN = 2048
MAX_POS = 2048
B, S = 4, 2048
EPS = 1e-12


def setup_inputs(seed: int = 0) -> dict:
    key = jax.random.key(seed)
    k1, k2, k3, k4, k5 = jax.random.split(key, 5)
    input_ids = jax.random.randint(k1, (B, S), 0, VOCAB, dtype=jnp.int64 if jax.config.jax_enable_x64 else jnp.int32)
    token_type_ids = jax.random.randint(k2, (B, S), 0, 2, dtype=input_ids.dtype)
    position_ids = jax.random.randint(k3, (B, S), 0, MAX_POS, dtype=input_ids.dtype)
    gate_table = jax.random.normal(k4, (VOCAB, HIDDEN // 2), dtype=jnp.float32) * 0.02
    gate_table = gate_table.at[0].set(0.0)  # padding_idx = 0
    qubit_table = jax.random.normal(k5, (MAX_POS, HIDDEN // 4), dtype=jnp.float32) * 0.02
    ln_gamma = jnp.ones((HIDDEN,), dtype=jnp.float32)
    ln_beta = jnp.zeros((HIDDEN,), dtype=jnp.float32)
    return {
        "input_ids": input_ids,
        "token_type_ids": token_type_ids,
        "position_ids": position_ids,
        "gate_table": gate_table,
        "qubit_table": qubit_table,
        "ln_gamma": ln_gamma,
        "ln_beta": ln_beta,
    }


def reference(input_ids, token_type_ids, position_ids, gate_table, qubit_table, ln_gamma, ln_beta):
    # gate (token) embedding lookup: [B, S, H/2]
    inputs_embeds = jnp.take(gate_table, input_ids, axis=0)
    # qubit embedding lookups into the shared position-sized table: each [B, S, H/4]
    qubit_embeds = jnp.take(qubit_table, token_type_ids, axis=0)
    qubit2_embeds = jnp.take(qubit_table, position_ids, axis=0)
    qubits_embeds = jnp.concatenate([qubit_embeds, qubit2_embeds], axis=-1)
    embeddings = jnp.concatenate([inputs_embeds, qubits_embeds], axis=-1)  # [B, S, H]
    # LayerNorm (biased variance, matching torch.nn.LayerNorm)
    mean = jnp.mean(embeddings, axis=-1, keepdims=True)
    var = jnp.mean(jnp.square(embeddings - mean), axis=-1, keepdims=True)
    normed = (embeddings - mean) / jnp.sqrt(var + EPS)
    out = normed * ln_gamma + ln_beta
    # dropout is identity in eval mode
    return out

if __name__ == "__main__":
    import jax
    _d = setup_inputs()
    print(jax.jit(kernel)(*tuple(_d.values())))

</pallas_src>

<mosaic_0001>
#map = affine_map<(d0, d1) -> (0, 0)>
#map1 = affine_map<(d0, d1) -> (0)>
module attributes {stable_mosaic.version = 14 : i64} {
  func.func @_embed_ln(%arg0: i32, %arg1: i32, %arg2: memref<100000x1024xf32, #tpu.memory_space<hbm>>, %arg3: memref<2048x512xf32, #tpu.memory_space<hbm>>, %arg4: memref<8192xi32, #tpu.memory_space<hbm>>, %arg5: memref<8192xi32, #tpu.memory_space<hbm>>, %arg6: memref<8192xi32, #tpu.memory_space<hbm>>, %arg7: memref<2048xf32, #tpu.memory_space<hbm>>, %arg8: memref<2048xf32, #tpu.memory_space<hbm>>, %arg9: memref<8192x2048xf32, #tpu.memory_space<hbm>>, %arg10: memref<256xi32, #tpu.memory_space<vmem>>, %arg11: memref<256xi32, #tpu.memory_space<vmem>>, %arg12: memref<256xi32, #tpu.memory_space<vmem>>, %arg13: memref<16x1024xf32, #tpu.memory_space<vmem>>, %arg14: memref<16x512xf32, #tpu.memory_space<vmem>>, %arg15: memref<16x512xf32, #tpu.memory_space<vmem>>, %arg16: memref<2048xf32, #tpu.memory_space<vmem>>, %arg17: memref<2048xf32, #tpu.memory_space<vmem>>, %arg18: memref<!tpu.dma_semaphore, #tpu.memory_space<semaphore_mem>>, %arg19: memref<!tpu.dma_semaphore, #tpu.memory_space<semaphore_mem>>, %arg20: memref<!tpu.dma_semaphore, #tpu.memory_space<semaphore_mem>>) attributes {dimension_semantics = [#tpu.dimension_semantics<core_parallel>, #tpu.dimension_semantics<subcore_parallel>], iteration_bounds = array<i64: 2, 16>, scalar_prefetch = 0 : i64, scratch_operands = 11 : i64, tpu.core_type = #tpu.core_type<sc_vector_subcore>, window_params = [{transform_indices = #map}, {transform_indices = #map}, {transform_indices = #map1}, {transform_indices = #map1}, {transform_indices = #map1}, {transform_indices = #map1}, {transform_indices = #map1}, {transform_indices = #map}]} {
    %mul3A = arith.constant 2 : i32
    %mul3A_0 = arith.muli %arg1, %mul3A : i32
    %add3A = arith.addi %mul3A_0, %arg0 : i32
    %mul3A_1 = arith.constant 256 : i32
    %mul3A_2 = arith.muli %add3A, %mul3A_1 : i32
    "tpu.region"() ({
      %run_scoped3A = tpu.sem_alloc : memref<!tpu.dma_semaphore, #tpu.memory_space<semaphore_mem>>
      tpu.enqueue_dma source(%arg7 : memref<2048xf32, #tpu.memory_space<hbm>>) target(%arg16 : memref<2048xf32, #tpu.memory_space<vmem>>) target_semaphore(%run_scoped3A : memref<!tpu.dma_semaphore, #tpu.memory_space<semaphore_mem>>)
      tpu.wait_dma2 semaphore(%run_scoped3A : memref<!tpu.dma_semaphore, #tpu.memory_space<semaphore_mem>>) src(%arg7 : memref<2048xf32, #tpu.memory_space<hbm>>) dst(%arg16 : memref<2048xf32, #tpu.memory_space<vmem>>)
      tpu.yield
    }) : () -> ()
    "tpu.region"() ({
      %run_scoped3A = tpu.sem_alloc : memref<!tpu.dma_semaphore, #tpu.memory_space<semaphore_mem>>
      tpu.enqueue_dma source(%arg8 : memref<2048xf32, #tpu.memory_space<hbm>>) target(%arg17 : memref<2048xf32, #tpu.memory_space<vmem>>) target_semaphore(%run_scoped3A : memref<!tpu.dma_semaphore, #tpu.memory_space<semaphore_mem>>)
      tpu.wait_dma2 semaphore(%run_scoped3A : memref<!tpu.dma_semaphore, #tpu.memory_space<semaphore_mem>>) src(%arg8 : memref<2048xf32, #tpu.memory_space<hbm>>) dst(%arg17 : memref<2048xf32, #tpu.memory_space<vmem>>)
      tpu.yield
    }) : () -> ()
    "tpu.region"() ({
      %run_scoped3A = tpu.sem_alloc : memref<!tpu.dma_semaphore, #tpu.memory_space<semaphore_mem>>
      %dma_start3A = tpu.memref_slice %arg4[%mul3A_2] : memref<8192xi32, #tpu.memory_space<hbm>> -> memref<256xi32, #tpu.memory_space<hbm>>
      %dma_start3A_9 = tpu.memref_slice %arg4[%mul3A_2] : memref<8192xi32, #tpu.memory_space<hbm>> -> memref<256xi32, #tpu.memory_space<hbm>>
      tpu.enqueue_dma source(%dma_start3A_9 : memref<256xi32, #tpu.memory_space<hbm>>) target(%arg10 : memref<256xi32, #tpu.memory_space<vmem>>) target_semaphore(%run_scoped3A : memref<!tpu.dma_semaphore, #tpu.memory_space<semaphore_mem>>)
      %dma_wait3A = tpu.memref_slice %arg4[%mul3A_2] : memref<8192xi32, #tpu.memory_space<hbm>> -> memref<256xi32, #tpu.memory_space<hbm>>
      %dma_wait3A_10 = tpu.memref_slice %arg4[%mul3A_2] : memref<8192xi32, #tpu.memory_space<hbm>> -> memref<256xi32, #tpu.memory_space<hbm>>
      tpu.wait_dma2 semaphore(%run_scoped3A : memref<!tpu.dma_semaphore, #tpu.memory_space<semaphore_mem>>) src(%dma_wait3A_10 : memref<256xi32, #tpu.memory_space<hbm>>) dst(%arg10 : memref<256xi32, #tpu.memory_space<vmem>>)
      tpu.yield
    }) : () -> ()
    "tpu.region"() ({
      %run_scoped3A = tpu.sem_alloc : memref<!tpu.dma_semaphore, #tpu.memory_space<semaphore_mem>>
      %dma_start3A = tpu.memref_slice %arg5[%mul3A_2] : memref<8192xi32, #tpu.memory_space<hbm>> -> memref<256xi32, #tpu.memory_space<hbm>>
      %dma_start3A_9 = tpu.memref_slice %arg5[%mul3A_2] : memref<8192xi32, #tpu.memory_space<hbm>> -> memref<256xi32, #tpu.memory_space<hbm>>
      tpu.enqueue_dma source(%dma_start3A_9 : memref<256xi32, #tpu.memory_space<hbm>>) target(%arg11 : memref<256xi32, #tpu.memory_space<vmem>>) target_semaphore(%run_scoped3A : memref<!tpu.dma_semaphore, #tpu.memory_space<semaphore_mem>>)
      %dma_wait3A = tpu.memref_slice %arg5[%mul3A_2] : memref<8192xi32, #tpu.memory_space<hbm>> -> memref<256xi32, #tpu.memory_space<hbm>>
      %dma_wait3A_10 = tpu.memref_slice %arg5[%mul3A_2] : memref<8192xi32, #tpu.memory_space<hbm>> -> memref<256xi32, #tpu.memory_space<hbm>>
      tpu.wait_dma2 semaphore(%run_scoped3A : memref<!tpu.dma_semaphore, #tpu.memory_space<semaphore_mem>>) src(%dma_wait3A_10 : memref<256xi32, #tpu.memory_space<hbm>>) dst(%arg11 : memref<256xi32, #tpu.memory_space<vmem>>)
      tpu.yield
    }) : () -> ()
    "tpu.region"() ({
      %run_scoped3A = tpu.sem_alloc : memref<!tpu.dma_semaphore, #tpu.memory_space<semaphore_mem>>
      %dma_start3A = tpu.memref_slice %arg6[%mul3A_2] : memref<8192xi32, #tpu.memory_space<hbm>> -> memref<256xi32, #tpu.memory_space<hbm>>
      %dma_start3A_9 = tpu.memref_slice %arg6[%mul3A_2] : memref<8192xi32, #tpu.memory_space<hbm>> -> memref<256xi32, #tpu.memory_space<hbm>>
      tpu.enqueue_dma source(%dma_start3A_9 : memref<256xi32, #tpu.memory_space<hbm>>) target(%arg12 : memref<256xi32, #tpu.memory_space<vmem>>) target_semaphore(%run_scoped3A : memref<!tpu.dma_semaphore, #tpu.memory_space<semaphore_mem>>)
      %dma_wait3A = tpu.memref_slice %arg6[%mul3A_2] : memref<8192xi32, #tpu.memory_space<hbm>> -> memref<256xi32, #tpu.memory_space<hbm>>
      %dma_wait3A_10 = tpu.memref_slice %arg6[%mul3A_2] : memref<8192xi32, #tpu.memory_space<hbm>> -> memref<256xi32, #tpu.memory_space<hbm>>
      tpu.wait_dma2 semaphore(%run_scoped3A : memref<!tpu.dma_semaphore, #tpu.memory_space<semaphore_mem>>) src(%dma_wait3A_10 : memref<256xi32, #tpu.memory_space<hbm>>) dst(%arg12 : memref<256xi32, #tpu.memory_space<vmem>>)
      tpu.yield
    }) : () -> ()
    %iota3A = tpu.iota {dimensions = array<i32: 0>} : vector<16xi32>
    %scan3A = arith.constant 0 : i32
    %scan3A_3 = arith.constant 0 : i32
    %scan3A_4 = arith.constant 16 : i32
    %scan3A_5 = arith.addi %scan3A_3, %scan3A_4 : i32
    %scan3A_6 = arith.constant 1 : i32
    %scan3A_7 = scf.for %scan3A_9 = %scan3A_3 to %scan3A_5 step %scan3A_6 iter_args(%scan3A_10 = %scan3A) -> (i32)  : i32 {
      %mul3A_11 = arith.constant 16 : i32
      %mul3A_12 = arith.muli %scan3A_9, %mul3A_11 : i32
      %dma_start3A = tpu.memref_slice %arg10[%mul3A_12] : memref<256xi32, #tpu.memory_space<vmem>> -> memref<16xi32, #tpu.memory_space<vmem>>
      %dma_start3A_13 = arith.constant 0 : i32
      %dma_start3A_14 = arith.constant 0 : i32
      %dma_start3A_15 = tpu.memref_slice %arg2[%dma_start3A_13, %dma_start3A_14] : memref<100000x1024xf32, #tpu.memory_space<hbm>> -> memref<100000x1024xf32, #tpu.memory_space<hbm>>
      tpu.enqueue_indirect_dma source(%dma_start3A_15 : memref<100000x1024xf32, #tpu.memory_space<hbm>>) target(%arg13 : memref<16x1024xf32, #tpu.memory_space<vmem>>) offsets(%dma_start3A : memref<16xi32, #tpu.memory_space<vmem>>) semaphore(%arg18 : memref<!tpu.dma_semaphore, #tpu.memory_space<semaphore_mem>>)
      %dma_start3A_16 = tpu.memref_slice %arg11[%mul3A_12] : memref<256xi32, #tpu.memory_space<vmem>> -> memref<16xi32, #tpu.memory_space<vmem>>
      %dma_start3A_17 = arith.constant 0 : i32
      %dma_start3A_18 = arith.constant 0 : i32
      %dma_start3A_19 = tpu.memref_slice %arg3[%dma_start3A_17, %dma_start3A_18] : memref<2048x512xf32, #tpu.memory_space<hbm>> -> memref<2048x512xf32, #tpu.memory_space<hbm>>
      tpu.enqueue_indirect_dma source(%dma_start3A_19 : memref<2048x512xf32, #tpu.memory_space<hbm>>) target(%arg14 : memref<16x512xf32, #tpu.memory_space<vmem>>) offsets(%dma_start3A_16 : memref<16xi32, #tpu.memory_space<vmem>>) semaphore(%arg19 : memref<!tpu.dma_semaphore, #tpu.memory_space<semaphore_mem>>)
      %dma_start3A_20 = tpu.memref_slice %arg12[%mul3A_12] : memref<256xi32, #tpu.memory_space<vmem>> -> memref<16xi32, #tpu.memory_space<vmem>>
      %dma_start3A_21 = arith.constant 0 : i32
      %dma_start3A_22 = arith.constant 0 : i32
      %dma_start3A_23 = tpu.memref_slice %arg3[%dma_start3A_21, %dma_start3A_22] : memref<2048x512xf32, #tpu.memory_space<hbm>> -> memref<2048x512xf32, #tpu.memory_space<hbm>>
      tpu.enqueue_indirect_dma source(%dma_start3A_23 : memref<2048x512xf32, #tpu.memory_space<hbm>>) target(%arg15 : memref<16x512xf32, #tpu.memory_space<vmem>>) offsets(%dma_start3A_20 : memref<16xi32, #tpu.memory_space<vmem>>) semaphore(%arg20 : memref<!tpu.dma_semaphore, #tpu.memory_space<semaphore_mem>>)
      %dma_wait3A = tpu.memref_slice %arg10[%mul3A_12] : memref<256xi32, #tpu.memory_space<vmem>> -> memref<16xi32, #tpu.memory_space<vmem>>
      %dma_wait3A_24 = arith.constant 0 : i32
      %dma_wait3A_25 = arith.constant 0 : i32
      %dma_wait3A_26 = tpu.memref_slice %arg2[%dma_wait3A_24, %dma_wait3A_25] : memref<100000x1024xf32, #tpu.memory_space<hbm>> -> memref<100000x1024xf32, #tpu.memory_space<hbm>>
      tpu.wait_indirect_dma semaphore(%arg18 : memref<!tpu.dma_semaphore, #tpu.memory_space<semaphore_mem>>) src(%dma_wait3A_26 : memref<100000x1024xf32, #tpu.memory_space<hbm>>) dst(%arg13 : memref<16x1024xf32, #tpu.memory_space<vmem>>)
      %dma_wait3A_27 = tpu.memref_slice %arg11[%mul3A_12] : memref<256xi32, #tpu.memory_space<vmem>> -> memref<16xi32, #tpu.memory_space<vmem>>
      %dma_wait3A_28 = arith.constant 0 : i32
      %dma_wait3A_29 = arith.constant 0 : i32
      %dma_wait3A_30 = tpu.memref_slice %arg3[%dma_wait3A_28, %dma_wait3A_29] : memref<2048x512xf32, #tpu.memory_space<hbm>> -> memref<2048x512xf32, #tpu.memory_space<hbm>>
      tpu.wait_indirect_dma semaphore(%arg19 : memref<!tpu.dma_semaphore, #tpu.memory_space<semaphore_mem>>) src(%dma_wait3A_30 : memref<2048x512xf32, #tpu.memory_space<hbm>>) dst(%arg14 : memref<16x512xf32, #tpu.memory_space<vmem>>)
      %dma_wait3A_31 = tpu.memref_slice %arg12[%mul3A_12] : memref<256xi32, #tpu.memory_space<vmem>> -> memref<16xi32, #tpu.memory_space<vmem>>
      %dma_wait3A_32 = arith.constant 0 : i32
      %dma_wait3A_33 = arith.constant 0 : i32
      %dma_wait3A_34 = tpu.memref_slice %arg3[%dma_wait3A_32, %dma_wait3A_33] : memref<2048x512xf32, #tpu.memory_space<hbm>> -> memref<2048x512xf32, #tpu.memory_space<hbm>>
      tpu.wait_indirect_dma semaphore(%arg20 : memref<!tpu.dma_semaphore, #tpu.memory_space<semaphore_mem>>) src(%dma_wait3A_34 : memref<2048x512xf32, #tpu.memory_space<hbm>>) dst(%arg15 : memref<16x512xf32, #tpu.memory_space<vmem>>)
      %broadcast_in_dim3A = arith.constant 0.000000e+00 : f32
      %broadcast_in_dim3A_35 = vector.broadcast %broadcast_in_dim3A : f32 to vector<16xf32>
      %scan3A_36 = arith.constant 0 : i32
      %scan3A_37 = arith.constant 128 : i32
      %scan3A_38 = arith.addi %scan3A_36, %scan3A_37 : i32
      %scan3A_39 = arith.constant 1 : i32
      %scan3A_40:2 = scf.for %scan3A_208 = %scan3A_36 to %scan3A_38 step %scan3A_39 iter_args(%scan3A_209 = %broadcast_in_dim3A_35, %scan3A_210 = %broadcast_in_dim3A_35) -> (vector<16xf32>, vector<16xf32>)  : i32 {
        %mul3A_211 = arith.constant 8 : i32
        %mul3A_212 = arith.muli %scan3A_208, %mul3A_211 : i32
        %add3A_213 = arith.constant 0 : i32
        %add3A_214 = arith.addi %mul3A_212, %add3A_213 : i32
        %broadcast_in_dim3A_215 = vector.broadcast %add3A_214 : i32 to vector<16xi32>
        %gather3A = tpu.vector_load_idx %arg13[%iota3A, %broadcast_in_dim3A_215] : memref<16x1024xf32, #tpu.memory_space<vmem>>[vector<16xi32>, vector<16xi32>], vector<16xf32>,
        %add3A_216 = arith.addf %scan3A_209, %gather3A : vector<16xf32>
        %mul3A_217 = arith.mulf %gather3A, %gather3A : vector<16xf32>
        %add3A_218 = arith.addf %scan3A_210, %mul3A_217 : vector<16xf32>
        %mul3A_219 = arith.constant 8 : i32
        %mul3A_220 = arith.muli %scan3A_208, %mul3A_219 : i32
        %add3A_221 = arith.constant 1 : i32
        %add3A_222 = arith.addi %mul3A_220, %add3A_221 : i32
        %broadcast_in_dim3A_223 = vector.broadcast %add3A_222 : i32 to vector<16xi32>
        %gather3A_224 = tpu.vector_load_idx %arg13[%iota3A, %broadcast_in_dim3A_223] : memref<16x1024xf32, #tpu.memory_space<vmem>>[vector<16xi32>, vector<16xi32>], vector<16xf32>,
        %add3A_225 = arith.addf %add3A_216, %gather3A_224 : vector<16xf32>
        %mul3A_226 = arith.mulf %gather3A_224, %gather3A_224 : vector<16xf32>
        %add3A_227 = arith.addf %add3A_218, %mul3A_226 : vector<16xf32>
        %mul3A_228 = arith.constant 8 : i32
        %mul3A_229 = arith.muli %scan3A_208, %mul3A_228 : i32
        %add3A_230 = arith.constant 2 : i32
        %add3A_231 = arith.addi %mul3A_229, %add3A_230 : i32
        %broadcast_in_dim3A_232 = vector.broadcast %add3A_231 : i32 to vector<16xi32>
        %gather3A_233 = tpu.vector_load_idx %arg13[%iota3A, %broadcast_in_dim3A_232] : memref<16x1024xf32, #tpu.memory_space<vmem>>[vector<16xi32>, vector<16xi32>], vector<16xf32>,
        %add3A_234 = arith.addf %add3A_225, %gather3A_233 : vector<16xf32>
        %mul3A_235 = arith.mulf %gather3A_233, %gather3A_233 : vector<16xf32>
        %add3A_236 = arith.addf %add3A_227, %mul3A_235 : vector<16xf32>
        %mul3A_237 = arith.constant 8 : i32
        %mul3A_238 = arith.muli %scan3A_208, %mul3A_237 : i32
        %add3A_239 = arith.constant 3 : i32
        %add3A_240 = arith.addi %mul3A_238, %add3A_239 : i32
        %broadcast_in_dim3A_241 = vector.broadcast %add3A_240 : i32 to vector<16xi32>
        %gather3A_242 = tpu.vector_load_idx %arg13[%iota3A, %broadcast_in_dim3A_241] : memref<16x1024xf32, #tpu.memory_space<vmem>>[vector<16xi32>, vector<16xi32>], vector<16xf32>,
        %add3A_243 = arith.addf %add3A_234, %gather3A_242 : vector<16xf32>
        %mul3A_244 = arith.mulf %gather3A_242, %gather3A_242 : vector<16xf32>
        %add3A_245 = arith.addf %add3A_236, %mul3A_244 : vector<16xf32>
        %mul3A_246 = arith.constant 8 : i32
        %mul3A_247 = arith.muli %scan3A_208, %mul3A_246 : i32
        %add3A_248 = arith.constant 4 : i32
        %add3A_249 = arith.addi %mul3A_247, %add3A_248 : i32
        %broadcast_in_dim3A_250 = vector.broadcast %add3A_249 : i32 to vector<16xi32>
        %gather3A_251 = tpu.vector_load_idx %arg13[%iota3A, %broadcast_in_dim3A_250] : memref<16x1024xf32, #tpu.memory_space<vmem>>[vector<16xi32>, vector<16xi32>], vector<16xf32>,
        %add3A_252 = arith.addf %add3A_243, %gather3A_251 : vector<16xf32>
        %mul3A_253 = arith.mulf %gather3A_251, %gather3A_251 : vector<16xf32>
        %add3A_254 = arith.addf %add3A_245, %mul3A_253 : vector<16xf32>
        %mul3A_255 = arith.constant 8 : i32
        %mul3A_256 = arith.muli %scan3A_208, %mul3A_255 : i32
        %add3A_257 = arith.constant 5 : i32
        %add3A_258 = arith.addi %mul3A_256, %add3A_257 : i32
        %broadcast_in_dim3A_259 = vector.broadcast %add3A_258 : i32 to vector<16xi32>
        %gather3A_260 = tpu.vector_load_idx %arg13[%iota3A, %broadcast_in_dim3A_259] : memref<16x1024xf32, #tpu.memory_space<vmem>>[vector<16xi32>, vector<16xi32>], vector<16xf32>,
        %add3A_261 = arith.addf %add3A_252, %gather3A_260 : vector<16xf32>
        %mul3A_262 = arith.mulf %gather3A_260, %gather3A_260 : vector<16xf32>
        %add3A_263 = arith.addf %add3A_254, %mul3A_262 : vector<16xf32>
        %mul3A_264 = arith.constant 8 : i32
        %mul3A_265 = arith.muli %scan3A_208, %mul3A_264 : i32
        %add3A_266 = arith.constant 6 : i32
        %add3A_267 = arith.addi %mul3A_265, %add3A_266 : i32
        %broadcast_in_dim3A_268 = vector.broadcast %add3A_267 : i32 to vector<16xi32>
        %gather3A_269 = tpu.vector_load_idx %arg13[%iota3A, %broadcast_in_dim3A_268] : memref<16x1024xf32, #tpu.memory_space<vmem>>[vector<16xi32>, vector<16xi32>], vector<16xf32>,
        %add3A_270 = arith.addf %add3A_261, %gather3A_269 : vector<16xf32>
        %mul3A_271 = arith.mulf %gather3A_269, %gather3A_269 : vector<16xf32>
        %add3A_272 = arith.addf %add3A_263, %mul3A_271 : vector<16xf32>
        %mul3A_273 = arith.constant 8 : i32
        %mul3A_274 = arith.muli %scan3A_208, %mul3A_273 : i32
        %add3A_275 = arith.constant 7 : i32
        %add3A_276 = arith.addi %mul3A_274, %add3A_275 : i32
        %broadcast_in_dim3A_277 = vector.broadcast %add3A_276 : i32 to vector<16xi32>
        %gather3A_278 = tpu.vector_load_idx %arg13[%iota3A, %broadcast_in_dim3A_277] : memref<16x1024xf32, #tpu.memory_space<vmem>>[vector<16xi32>, vector<16xi32>], vector<16xf32>,
        %add3A_279 = arith.addf %add3A_270, %gather3A_278 : vector<16xf32>
        %mul3A_280 = arith.mulf %gather3A_278, %gather3A_278 : vector<16xf32>
        %add3A_281 = arith.addf %add3A_272, %mul3A_280 : vector<16xf32>
        scf.yield %add3A_279, %add3A_281 : vector<16xf32>, vector<16xf32>
      }
      %scan3A_41 = arith.constant 128 : i32
      %scan3A_42 = arith.constant 0 : i32
      %scan3A_43 = arith.constant 64 : i32
      %scan3A_44 = arith.addi %scan3A_42, %scan3A_43 : i32
      %scan3A_45 = arith.constant 1 : i32
      %scan3A_46:2 = scf.for %scan3A_208 = %scan3A_42 to %scan3A_44 step %scan3A_45 iter_args(%scan3A_209 = %scan3A_40#0, %scan3A_210 = %scan3A_40#1) -> (vector<16xf32>, vector<16xf32>)  : i32 {
        %mul3A_211 = arith.constant 8 : i32
        %mul3A_212 = arith.muli %scan3A_208, %mul3A_211 : i32
        %add3A_213 = arith.constant 0 : i32
        %add3A_214 = arith.addi %mul3A_212, %add3A_213 : i32
        %broadcast_in_dim3A_215 = vector.broadcast %add3A_214 : i32 to vector<16xi32>
        %gather3A = tpu.vector_load_idx %arg14[%iota3A, %broadcast_in_dim3A_215] : memref<16x512xf32, #tpu.memory_space<vmem>>[vector<16xi32>, vector<16xi32>], vector<16xf32>,
        %add3A_216 = arith.addf %scan3A_209, %gather3A : vector<16xf32>
        %mul3A_217 = arith.mulf %gather3A, %gather3A : vector<16xf32>
        %add3A_218 = arith.addf %scan3A_210, %mul3A_217 : vector<16xf32>
        %mul3A_219 = arith.constant 8 : i32
        %mul3A_220 = arith.muli %scan3A_208, %mul3A_219 : i32
        %add3A_221 = arith.constant 1 : i32
        %add3A_222 = arith.addi %mul3A_220, %add3A_221 : i32
        %broadcast_in_dim3A_223 = vector.broadcast %add3A_222 : i32 to vector<16xi32>
        %gather3A_224 = tpu.vector_load_idx %arg14[%iota3A, %broadcast_in_dim3A_223] : memref<16x512xf32, #tpu.memory_space<vmem>>[vector<16xi32>, vector<16xi32>], vector<16xf32>,
        %add3A_225 = arith.addf %add3A_216, %gather3A_224 : vector<16xf32>
        %mul3A_226 = arith.mulf %gather3A_224, %gather3A_224 : vector<16xf32>
        %add3A_227 = arith.addf %add3A_218, %mul3A_226 : vector<16xf32>
        %mul3A_228 = arith.constant 8 : i32
        %mul3A_229 = arith.muli %scan3A_208, %mul3A_228 : i32
        %add3A_230 = arith.constant 2 : i32
        %add3A_231 = arith.addi %mul3A_229, %add3A_230 : i32
        %broadcast_in_dim3A_232 = vector.broadcast %add3A_231 : i32 to vector<16xi32>
        %gather3A_233 = tpu.vector_load_idx %arg14[%iota3A, %broadcast_in_dim3A_232] : memref<16x512xf32, #tpu.memory_space<vmem>>[vector<16xi32>, vector<16xi32>], vector<16xf32>,
        %add3A_234 = arith.addf %add3A_225, %gather3A_233 : vector<16xf32>
        %mul3A_235 = arith.mulf %gather3A_233, %gather3A_233 : vector<16xf32>
        %add3A_236 = arith.addf %add3A_227, %mul3A_235 : vector<16xf32>
        %mul3A_237 = arith.constant 8 : i32
        %mul3A_238 = arith.muli %scan3A_208, %mul3A_237 : i32
        %add3A_239 = arith.constant 3 : i32
        %add3A_240 = arith.addi %mul3A_238, %add3A_239 : i32
        %broadcast_in_dim3A_241 = vector.broadcast %add3A_240 : i32 to vector<16xi32>
        %gather3A_242 = tpu.vector_load_idx %arg14[%iota3A, %broadcast_in_dim3A_241] : memref<16x512xf32, #tpu.memory_space<vmem>>[vector<16xi32>, vector<16xi32>], vector<16xf32>,
        %add3A_243 = arith.addf %add3A_234, %gather3A_242 : vector<16xf32>
        %mul3A_244 = arith.mulf %gather3A_242, %gather3A_242 : vector<16xf32>
        %add3A_245 = arith.addf %add3A_236, %mul3A_244 : vector<16xf32>
        %mul3A_246 = arith.constant 8 : i32
        %mul3A_247 = arith.muli %scan3A_208, %mul3A_246 : i32
        %add3A_248 = arith.constant 4 : i32
        %add3A_249 = arith.addi %mul3A_247, %add3A_248 : i32
        %broadcast_in_dim3A_250 = vector.broadcast %add3A_249 : i32 to vector<16xi32>
        %gather3A_251 = tpu.vector_load_idx %arg14[%iota3A, %broadcast_in_dim3A_250] : memref<16x512xf32, #tpu.memory_space<vmem>>[vector<16xi32>, vector<16xi32>], vector<16xf32>,
        %add3A_252 = arith.addf %add3A_243, %gather3A_251 : vector<16xf32>
        %mul3A_253 = arith.mulf %gather3A_251, %gather3A_251 : vector<16xf32>
        %add3A_254 = arith.addf %add3A_245, %mul3A_253 : vector<16xf32>
        %mul3A_255 = arith.constant 8 : i32
        %mul3A_256 = arith.muli %scan3A_208, %mul3A_255 : i32
        %add3A_257 = arith.constant 5 : i32
        %add3A_258 = arith.addi %mul3A_256, %add3A_257 : i32
        %broadcast_in_dim3A_259 = vector.broadcast %add3A_258 : i32 to vector<16xi32>
        %gather3A_260 = tpu.vector_load_idx %arg14[%iota3A, %broadcast_in_dim3A_259] : memref<16x512xf32, #tpu.memory_space<vmem>>[vector<16xi32>, vector<16xi32>], vector<16xf32>,
        %add3A_261 = arith.addf %add3A_252, %gather3A_260 : vector<16xf32>
        %mul3A_262 = arith.mulf %gather3A_260, %gather3A_260 : vector<16xf32>
        %add3A_263 = arith.addf %add3A_254, %mul3A_262 : vector<16xf32>
        %mul3A_264 = arith.constant 8 : i32
        %mul3A_265 = arith.muli %scan3A_208, %mul3A_264 : i32
        %add3A_266 = arith.constant 6 : i32
        %add3A_267 = arith.addi %mul3A_265, %add3A_266 : i32
        %broadcast_in_dim3A_268 = vector.broadcast %add3A_267 : i32 to vector<16xi32>
        %gather3A_269 = tpu.vector_load_idx %arg14[%iota3A, %broadcast_in_dim3A_268] : memref<16x512xf32, #tpu.memory_space<vmem>>[vector<16xi32>, vector<16xi32>], vector<16xf32>,
        %add3A_270 = arith.addf %add3A_261, %gather3A_269 : vector<16xf32>
        %mul3A_271 = arith.mulf %gather3A_269, %gather3A_269 : vector<16xf32>
        %add3A_272 = arith.addf %add3A_263, %mul3A_271 : vector<16xf32>
        %mul3A_273 = arith.constant 8 : i32
        %mul3A_274 = arith.muli %scan3A_208, %mul3A_273 : i32
        %add3A_275 = arith.constant 7 : i32
        %add3A_276 = arith.addi %mul3A_274, %add3A_275 : i32
        %broadcast_in_dim3A_277 = vector.broadcast %add3A_276 : i32 to vector<16xi32>
        %gather3A_278 = tpu.vector_load_idx %arg14[%iota3A, %broadcast_in_dim3A_277] : memref<16x512xf32, #tpu.memory_space<vmem>>[vector<16xi32>, vector<16xi32>], vector<16xf32>,
        %add3A_279 = arith.addf %add3A_270, %gather3A_278 : vector<16xf32>
        %mul3A_280 = arith.mulf %gather3A_278, %gather3A_278 : vector<16xf32>
        %add3A_281 = arith.addf %add3A_272, %mul3A_280 : vector<16xf32>
        scf.yield %add3A_279, %add3A_281 : vector<16xf32>, vector<16xf32>
      }
      %scan3A_47 = arith.constant 64 : i32
      %scan3A_48 = arith.constant 0 : i32
      %scan3A_49 = arith.constant 64 : i32
      %scan3A_50 = arith.addi %scan3A_48, %scan3A_49 : i32
      %scan3A_51 = arith.constant 1 : i32
      %scan3A_52:2 = scf.for %scan3A_208 = %scan3A_48 to %scan3A_50 step %scan3A_51 iter_args(%scan3A_209 = %scan3A_46#0, %scan3A_210 = %scan3A_46#1) -> (vector<16xf32>, vector<16xf32>)  : i32 {
        %mul3A_211 = arith.constant 8 : i32
        %mul3A_212 = arith.muli %scan3A_208, %mul3A_211 : i32
        %add3A_213 = arith.constant 0 : i32
        %add3A_214 = arith.addi %mul3A_212, %add3A_213 : i32
        %broadcast_in_dim3A_215 = vector.broadcast %add3A_214 : i32 to vector<16xi32>
        %gather3A = tpu.vector_load_idx %arg15[%iota3A, %broadcast_in_dim3A_215] : memref<16x512xf32, #tpu.memory_space<vmem>>[vector<16xi32>, vector<16xi32>], vector<16xf32>,
        %add3A_216 = arith.addf %scan3A_209, %gather3A : vector<16xf32>
        %mul3A_217 = arith.mulf %gather3A, %gather3A : vector<16xf32>
        %add3A_218 = arith.addf %scan3A_210, %mul3A_217 : vector<16xf32>
        %mul3A_219 = arith.constant 8 : i32
        %mul3A_220 = arith.muli %scan3A_208, %mul3A_219 : i32
        %add3A_221 = arith.constant 1 : i32
        %add3A_222 = arith.addi %mul3A_220, %add3A_221 : i32
        %broadcast_in_dim3A_223 = vector.broadcast %add3A_222 : i32 to vector<16xi32>
        %gather3A_224 = tpu.vector_load_idx %arg15[%iota3A, %broadcast_in_dim3A_223] : memref<16x512xf32, #tpu.memory_space<vmem>>[vector<16xi32>, vector<16xi32>], vector<16xf32>,
        %add3A_225 = arith.addf %add3A_216, %gather3A_224 : vector<16xf32>
        %mul3A_226 = arith.mulf %gather3A_224, %gather3A_224 : vector<16xf32>
        %add3A_227 = arith.addf %add3A_218, %mul3A_226 : vector<16xf32>
        %mul3A_228 = arith.constant 8 : i32
        %mul3A_229 = arith.muli %scan3A_208, %mul3A_228 : i32
        %add3A_230 = arith.constant 2 : i32
        %add3A_231 = arith.addi %mul3A_229, %add3A_230 : i32
        %broadcast_in_dim3A_232 = vector.broadcast %add3A_231 : i32 to vector<16xi32>
        %gather3A_233 = tpu.vector_load_idx %arg15[%iota3A, %broadcast_in_dim3A_232] : memref<16x512xf32, #tpu.memory_space<vmem>>[vector<16xi32>, vector<16xi32>], vector<16xf32>,
        %add3A_234 = arith.addf %add3A_225, %gather3A_233 : vector<16xf32>
        %mul3A_235 = arith.mulf %gather3A_233, %gather3A_233 : vector<16xf32>
        %add3A_236 = arith.addf %add3A_227, %mul3A_235 : vector<16xf32>
        %mul3A_237 = arith.constant 8 : i32
        %mul3A_238 = arith.muli %scan3A_208, %mul3A_237 : i32
        %add3A_239 = arith.constant 3 : i32
        %add3A_240 = arith.addi %mul3A_238, %add3A_239 : i32
        %broadcast_in_dim3A_241 = vector.broadcast %add3A_240 : i32 to vector<16xi32>
        %gather3A_242 = tpu.vector_load_idx %arg15[%iota3A, %broadcast_in_dim3A_241] : memref<16x512xf32, #tpu.memory_space<vmem>>[vector<16xi32>, vector<16xi32>], vector<16xf32>,
        %add3A_243 = arith.addf %add3A_234, %gather3A_242 : vector<16xf32>
        %mul3A_244 = arith.mulf %gather3A_242, %gather3A_242 : vector<16xf32>
        %add3A_245 = arith.addf %add3A_236, %mul3A_244 : vector<16xf32>
        %mul3A_246 = arith.constant 8 : i32
        %mul3A_247 = arith.muli %scan3A_208, %mul3A_246 : i32
        %add3A_248 = arith.constant 4 : i32
        %add3A_249 = arith.addi %mul3A_247, %add3A_248 : i32
        %broadcast_in_dim3A_250 = vector.broadcast %add3A_249 : i32 to vector<16xi32>
        %gather3A_251 = tpu.vector_load_idx %arg15[%iota3A, %broadcast_in_dim3A_250] : memref<16x512xf32, #tpu.memory_space<vmem>>[vector<16xi32>, vector<16xi32>], vector<16xf32>,
        %add3A_252 = arith.addf %add3A_243, %gather3A_251 : vector<16xf32>
        %mul3A_253 = arith.mulf %gather3A_251, %gather3A_251 : vector<16xf32>
        %add3A_254 = arith.addf %add3A_245, %mul3A_253 : vector<16xf32>
        %mul3A_255 = arith.constant 8 : i32
        %mul3A_256 = arith.muli %scan3A_208, %mul3A_255 : i32
        %add3A_257 = arith.constant 5 : i32
        %add3A_258 = arith.addi %mul3A_256, %add3A_257 : i32
        %broadcast_in_dim3A_259 = vector.broadcast %add3A_258 : i32 to vector<16xi32>
        %gather3A_260 = tpu.vector_load_idx %arg15[%iota3A, %broadcast_in_dim3A_259] : memref<16x512xf32, #tpu.memory_space<vmem>>[vector<16xi32>, vector<16xi32>], vector<16xf32>,
        %add3A_261 = arith.addf %add3A_252, %gather3A_260 : vector<16xf32>
        %mul3A_262 = arith.mulf %gather3A_260, %gather3A_260 : vector<16xf32>
        %add3A_263 = arith.addf %add3A_254, %mul3A_262 : vector<16xf32>
        %mul3A_264 = arith.constant 8 : i32
        %mul3A_265 = arith.muli %scan3A_208, %mul3A_264 : i32
        %add3A_266 = arith.constant 6 : i32
        %add3A_267 = arith.addi %mul3A_265, %add3A_266 : i32
        %broadcast_in_dim3A_268 = vector.broadcast %add3A_267 : i32 to vector<16xi32>
        %gather3A_269 = tpu.vector_load_idx %arg15[%iota3A, %broadcast_in_dim3A_268] : memref<16x512xf32, #tpu.memory_space<vmem>>[vector<16xi32>, vector<16xi32>], vector<16xf32>,
        %add3A_270 = arith.addf %add3A_261, %gather3A_269 : vector<16xf32>
        %mul3A_271 = arith.mulf %gather3A_269, %gather3A_269 : vector<16xf32>
        %add3A_272 = arith.addf %add3A_263, %mul3A_271 : vector<16xf32>
        %mul3A_273 = arith.constant 8 : i32
        %mul3A_274 = arith.muli %scan3A_208, %mul3A_273 : i32
        %add3A_275 = arith.constant 7 : i32
        %add3A_276 = arith.addi %mul3A_274, %add3A_275 : i32
        %broadcast_in_dim3A_277 = vector.broadcast %add3A_276 : i32 to vector<16xi32>
        %gather3A_278 = tpu.vector_load_idx %arg15[%iota3A, %broadcast_in_dim3A_277] : memref<16x512xf32, #tpu.memory_space<vmem>>[vector<16xi32>, vector<16xi32>], vector<16xf32>,
        %add3A_279 = arith.addf %add3A_270, %gather3A_278 : vector<16xf32>
        %mul3A_280 = arith.mulf %gather3A_278, %gather3A_278 : vector<16xf32>
        %add3A_281 = arith.addf %add3A_272, %mul3A_280 : vector<16xf32>
        scf.yield %add3A_279, %add3A_281 : vector<16xf32>, vector<16xf32>
      }
      %scan3A_53 = arith.constant 64 : i32
      %mul3A_54 = arith.constant 4.8828125E-4 : f32
      %mul3A_55 = vector.broadcast %mul3A_54 : f32 to vector<16xf32>
      %mul3A_56 = arith.mulf %scan3A_52#0, %mul3A_55 : vector<16xf32>
      %mul3A_57 = arith.constant 4.8828125E-4 : f32
      %mul3A_58 = vector.broadcast %mul3A_57 : f32 to vector<16xf32>
      %mul3A_59 = arith.mulf %scan3A_52#1, %mul3A_58 : vector<16xf32>
      %mul3A_60 = arith.mulf %mul3A_56, %mul3A_56 : vector<16xf32>
      %sub3A = arith.subf %mul3A_59, %mul3A_60 : vector<16xf32>
      %add3A_61 = arith.constant 9.99999996E-13 : f32
      %add3A_62 = vector.broadcast %add3A_61 : f32 to vector<16xf32>
      %add3A_63 = arith.addf %sub3A, %add3A_62 : vector<16xf32>
      %mul3A_64 = arith.constant 5.000000e-01 : f32
      %mul3A_65 = vector.broadcast %mul3A_64 : f32 to vector<16xf32>
      %mul3A_66 = arith.mulf %add3A_63, %mul3A_65 : vector<16xf32>
      %bitcast3A = vector.bitcast %add3A_63 : vector<16xf32> to vector<16xi32>
      %shift_right_arithmetic3A = arith.constant 1 : i32
      %shift_right_arithmetic3A_67 = vector.broadcast %shift_right_arithmetic3A : i32 to vector<16xi32>
      %shift_right_arithmetic3A_68 = arith.shrsi %bitcast3A, %shift_right_arithmetic3A_67 : vector<16xi32>
      %sub3A_69 = arith.constant 1597463007 : i32
      %sub3A_70 = vector.broadcast %sub3A_69 : i32 to vector<16xi32>
      %sub3A_71 = arith.subi %sub3A_70, %shift_right_arithmetic3A_68 : vector<16xi32>
      %bitcast3A_72 = vector.bitcast %sub3A_71 : vector<16xi32> to vector<16xf32>
      %mul3A_73 = arith.mulf %mul3A_66, %bitcast3A_72 : vector<16xf32>
      %mul3A_74 = arith.mulf %mul3A_73, %bitcast3A_72 : vector<16xf32>
      %sub3A_75 = arith.constant 1.500000e+00 : f32
      %sub3A_76 = vector.broadcast %sub3A_75 : f32 to vector<16xf32>
      %sub3A_77 = arith.subf %sub3A_76, %mul3A_74 : vector<16xf32>
      %mul3A_78 = arith.mulf %bitcast3A_72, %sub3A_77 : vector<16xf32>
      %mul3A_79 = arith.mulf %mul3A_66, %mul3A_78 : vector<16xf32>
      %mul3A_80 = arith.mulf %mul3A_79, %mul3A_78 : vector<16xf32>
      %sub3A_81 = arith.constant 1.500000e+00 : f32
      %sub3A_82 = vector.broadcast %sub3A_81 : f32 to vector<16xf32>
      %sub3A_83 = arith.subf %sub3A_82, %mul3A_80 : vector<16xf32>
      %mul3A_84 = arith.mulf %mul3A_78, %sub3A_83 : vector<16xf32>
      %mul3A_85 = arith.mulf %mul3A_66, %mul3A_84 : vector<16xf32>
      %mul3A_86 = arith.mulf %mul3A_85, %mul3A_84 : vector<16xf32>
      %sub3A_87 = arith.constant 1.500000e+00 : f32
      %sub3A_88 = vector.broadcast %sub3A_87 : f32 to vector<16xf32>
      %sub3A_89 = arith.subf %sub3A_88, %mul3A_86 : vector<16xf32>
      %mul3A_90 = arith.mulf %mul3A_84, %sub3A_89 : vector<16xf32>
      %slice3A = vector.extract_strided_slice %mul3A_56 {offsets = [0], sizes = [1], strides = [1]} : vector<16xf32> to vector<1xf32>
      %squeeze3A = vector.extract %slice3A[0] : f32 from vector<1xf32>
      %broadcast_in_dim3A_91 = vector.broadcast %squeeze3A : f32 to vector<16xf32>
      %slice3A_92 = vector.extract_strided_slice %mul3A_56 {offsets = [1], sizes = [1], strides = [1]} : vector<16xf32> to vector<1xf32>
      %squeeze3A_93 = vector.extract %slice3A_92[0] : f32 from vector<1xf32>
      %broadcast_in_dim3A_94 = vector.broadcast %squeeze3A_93 : f32 to vector<16xf32>
      %slice3A_95 = vector.extract_strided_slice %mul3A_56 {offsets = [2], sizes = [1], strides = [1]} : vector<16xf32> to vector<1xf32>
      %squeeze3A_96 = vector.extract %slice3A_95[0] : f32 from vector<1xf32>
      %broadcast_in_dim3A_97 = vector.broadcast %squeeze3A_96 : f32 to vector<16xf32>
      %slice3A_98 = vector.extract_strided_slice %mul3A_56 {offsets = [3], sizes = [1], strides = [1]} : vector<16xf32> to vector<1xf32>
      %squeeze3A_99 = vector.extract %slice3A_98[0] : f32 from vector<1xf32>
      %broadcast_in_dim3A_100 = vector.broadcast %squeeze3A_99 : f32 to vector<16xf32>
      %slice3A_101 = vector.extract_strided_slice %mul3A_56 {offsets = [4], sizes = [1], strides = [1]} : vector<16xf32> to vector<1xf32>
      %squeeze3A_102 = vector.extract %slice3A_101[0] : f32 from vector<1xf32>
      %broadcast_in_dim3A_103 = vector.broadcast %squeeze3A_102 : f32 to vector<16xf32>
      %slice3A_104 = vector.extract_strided_slice %mul3A_56 {offsets = [5], sizes = [1], strides = [1]} : vector<16xf32> to vector<1xf32>
      %squeeze3A_105 = vector.extract %slice3A_104[0] : f32 from vector<1xf32>
      %broadcast_in_dim3A_106 = vector.broadcast %squeeze3A_105 : f32 to vector<16xf32>
      %slice3A_107 = vector.extract_strided_slice %mul3A_56 {offsets = [6], sizes = [1], strides = [1]} : vector<16xf32> to vector<1xf32>
      %squeeze3A_108 = vector.extract %slice3A_107[0] : f32 from vector<1xf32>
      %broadcast_in_dim3A_109 = vector.broadcast %squeeze3A_108 : f32 to vector<16xf32>
      %slice3A_110 = vector.extract_strided_slice %mul3A_56 {offsets = [7], sizes = [1], strides = [1]} : vector<16xf32> to vector<1xf32>
      %squeeze3A_111 = vector.extract %slice3A_110[0] : f32 from vector<1xf32>
      %broadcast_in_dim3A_112 = vector.broadcast %squeeze3A_111 : f32 to vector<16xf32>
      %slice3A_113 = vector.extract_strided_slice %mul3A_56 {offsets = [8], sizes = [1], strides = [1]} : vector<16xf32> to vector<1xf32>
      %squeeze3A_114 = vector.extract %slice3A_113[0] : f32 from vector<1xf32>
      %broadcast_in_dim3A_115 = vector.broadcast %squeeze3A_114 : f32 to vector<16xf32>
      %slice3A_116 = vector.extract_strided_slice %mul3A_56 {offsets = [9], sizes = [1], strides = [1]} : vector<16xf32> to vector<1xf32>
      %squeeze3A_117 = vector.extract %slice3A_116[0] : f32 from vector<1xf32>
      %broadcast_in_dim3A_118 = vector.broadcast %squeeze3A_117 : f32 to vector<16xf32>
      %slice3A_119 = vector.extract_strided_slice %mul3A_56 {offsets = [10], sizes = [1], strides = [1]} : vector<16xf32> to vector<1xf32>
      %squeeze3A_120 = vector.extract %slice3A_119[0] : f32 from vector<1xf32>
      %broadcast_in_dim3A_121 = vector.broadcast %squeeze3A_120 : f32 to vector<16xf32>
      %slice3A_122 = vector.extract_strided_slice %mul3A_56 {offsets = [11], sizes = [1], strides = [1]} : vector<16xf32> to vector<1xf32>
      %squeeze3A_123 = vector.extract %slice3A_122[0] : f32 from vector<1xf32>
      %broadcast_in_dim3A_124 = vector.broadcast %squeeze3A_123 : f32 to vector<16xf32>
      %slice3A_125 = vector.extract_strided_slice %mul3A_56 {offsets = [12], sizes = [1], strides = [1]} : vector<16xf32> to vector<1xf32>
      %squeeze3A_126 = vector.extract %slice3A_125[0] : f32 from vector<1xf32>
      %broadcast_in_dim3A_127 = vector.broadcast %squeeze3A_126 : f32 to vector<16xf32>
      %slice3A_128 = vector.extract_strided_slice %mul3A_56 {offsets = [13], sizes = [1], strides = [1]} : vector<16xf32> to vector<1xf32>
      %squeeze3A_129 = vector.extract %slice3A_128[0] : f32 from vector<1xf32>
      %broadcast_in_dim3A_130 = vector.broadcast %squeeze3A_129 : f32 to vector<16xf32>
      %slice3A_131 = vector.extract_strided_slice %mul3A_56 {offsets = [14], sizes = [1], strides = [1]} : vector<16xf32> to vector<1xf32>
      %squeeze3A_132 = vector.extract %slice3A_131[0] : f32 from vector<1xf32>
      %broadcast_in_dim3A_133 = vector.broadcast %squeeze3A_132 : f32 to vector<16xf32>
      %slice3A_134 = vector.extract_strided_slice %mul3A_56 {offsets = [15], sizes = [1], strides = [1]} : vector<16xf32> to vector<1xf32>
      %squeeze3A_135 = vector.extract %slice3A_134[0] : f32 from vector<1xf32>
      %broadcast_in_dim3A_136 = vector.broadcast %squeeze3A_135 : f32 to vector<16xf32>
      %slice3A_137 = vector.extract_strided_slice %mul3A_90 {offsets = [0], sizes = [1], strides = [1]} : vector<16xf32> to vector<1xf32>
      %squeeze3A_138 = vector.extract %slice3A_137[0] : f32 from vector<1xf32>
      %broadcast_in_dim3A_139 = vector.broadcast %squeeze3A_138 : f32 to vector<16xf32>
      %slice3A_140 = vector.extract_strided_slice %mul3A_90 {offsets = [1], sizes = [1], strides = [1]} : vector<16xf32> to vector<1xf32>
      %squeeze3A_141 = vector.extract %slice3A_140[0] : f32 from vector<1xf32>
      %broadcast_in_dim3A_142 = vector.broadcast %squeeze3A_141 : f32 to vector<16xf32>
      %slice3A_143 = vector.extract_strided_slice %mul3A_90 {offsets = [2], sizes = [1], strides = [1]} : vector<16xf32> to vector<1xf32>
      %squeeze3A_144 = vector.extract %slice3A_143[0] : f32 from vector<1xf32>
      %broadcast_in_dim3A_145 = vector.broadcast %squeeze3A_144 : f32 to vector<16xf32>
      %slice3A_146 = vector.extract_strided_slice %mul3A_90 {offsets = [3], sizes = [1], strides = [1]} : vector<16xf32> to vector<1xf32>
      %squeeze3A_147 = vector.extract %slice3A_146[0] : f32 from vector<1xf32>
      %broadcast_in_dim3A_148 = vector.broadcast %squeeze3A_147 : f32 to vector<16xf32>
      %slice3A_149 = vector.extract_strided_slice %mul3A_90 {offsets = [4], sizes = [1], strides = [1]} : vector<16xf32> to vector<1xf32>
      %squeeze3A_150 = vector.extract %slice3A_149[0] : f32 from vector<1xf32>
      %broadcast_in_dim3A_151 = vector.broadcast %squeeze3A_150 : f32 to vector<16xf32>
      %slice3A_152 = vector.extract_strided_slice %mul3A_90 {offsets = [5], sizes = [1], strides = [1]} : vector<16xf32> to vector<1xf32>
      %squeeze3A_153 = vector.extract %slice3A_152[0] : f32 from vector<1xf32>
      %broadcast_in_dim3A_154 = vector.broadcast %squeeze3A_153 : f32 to vector<16xf32>
      %slice3A_155 = vector.extract_strided_slice %mul3A_90 {offsets = [6], sizes = [1], strides = [1]} : vector<16xf32> to vector<1xf32>
      %squeeze3A_156 = vector.extract %slice3A_155[0] : f32 from vector<1xf32>
      %broadcast_in_dim3A_157 = vector.broadcast %squeeze3A_156 : f32 to vector<16xf32>
      %slice3A_158 = vector.extract_strided_slice %mul3A_90 {offsets = [7], sizes = [1], strides = [1]} : vector<16xf32> to vector<1xf32>
      %squeeze3A_159 = vector.extract %slice3A_158[0] : f32 from vector<1xf32>
      %broadcast_in_dim3A_160 = vector.broadcast %squeeze3A_159 : f32 to vector<16xf32>
      %slice3A_161 = vector.extract_strided_slice %mul3A_90 {offsets = [8], sizes = [1], strides = [1]} : vector<16xf32> to vector<1xf32>
      %squeeze3A_162 = vector.extract %slice3A_161[0] : f32 from vector<1xf32>
      %broadcast_in_dim3A_163 = vector.broadcast %squeeze3A_162 : f32 to vector<16xf32>
      %slice3A_164 = vector.extract_strided_slice %mul3A_90 {offsets = [9], sizes = [1], strides = [1]} : vector<16xf32> to vector<1xf32>
      %squeeze3A_165 = vector.extract %slice3A_164[0] : f32 from vector<1xf32>
      %broadcast_in_dim3A_166 = vector.broadcast %squeeze3A_165 : f32 to vector<16xf32>
      %slice3A_167 = vector.extract_strided_slice %mul3A_90 {offsets = [10], sizes = [1], strides = [1]} : vector<16xf32> to vector<1xf32>
      %squeeze3A_168 = vector.extract %slice3A_167[0] : f32 from vector<1xf32>
      %broadcast_in_dim3A_169 = vector.broadcast %squeeze3A_168 : f32 to vector<16xf32>
      %slice3A_170 = vector.extract_strided_slice %mul3A_90 {offsets = [11], sizes = [1], strides = [1]} : vector<16xf32> to vector<1xf32>
      %squeeze3A_171 = vector.extract %slice3A_170[0] : f32 from vector<1xf32>
      %broadcast_in_dim3A_172 = vector.broadcast %squeeze3A_171 : f32 to vector<16xf32>
      %slice3A_173 = vector.extract_strided_slice %mul3A_90 {offsets = [12], sizes = [1], strides = [1]} : vector<16xf32> to vector<1xf32>
      %squeeze3A_174 = vector.extract %slice3A_173[0] : f32 from vector<1xf32>
      %broadcast_in_dim3A_175 = vector.broadcast %squeeze3A_174 : f32 to vector<16xf32>
      %slice3A_176 = vector.extract_strided_slice %mul3A_90 {offsets = [13], sizes = [1], strides = [1]} : vector<16xf32> to vector<1xf32>
      %squeeze3A_177 = vector.extract %slice3A_176[0] : f32 from vector<1xf32>
      %broadcast_in_dim3A_178 = vector.broadcast %squeeze3A_177 : f32 to vector<16xf32>
      %slice3A_179 = vector.extract_strided_slice %mul3A_90 {offsets = [14], sizes = [1], strides = [1]} : vector<16xf32> to vector<1xf32>
      %squeeze3A_180 = vector.extract %slice3A_179[0] : f32 from vector<1xf32>
      %broadcast_in_dim3A_181 = vector.broadcast %squeeze3A_180 : f32 to vector<16xf32>
      %slice3A_182 = vector.extract_strided_slice %mul3A_90 {offsets = [15], sizes = [1], strides = [1]} : vector<16xf32> to vector<1xf32>
      %squeeze3A_183 = vector.extract %slice3A_182[0] : f32 from vector<1xf32>
      %broadcast_in_dim3A_184 = vector.broadcast %squeeze3A_183 : f32 to vector<16xf32>
      %scan3A_185 = arith.constant 0 : i32
      %scan3A_186 = arith.constant 0 : i32
      %scan3A_187 = arith.constant 64 : i32
      %scan3A_188 = arith.addi %scan3A_186, %scan3A_187 : i32
      %scan3A_189 = arith.constant 1 : i32
      %scan3A_190 = scf.for %scan3A_208 = %scan3A_186 to %scan3A_188 step %scan3A_189 iter_args(%scan3A_209 = %scan3A_185) -> (i32)  : i32 {
        %mul3A_210 = arith.constant 16 : i32
        %mul3A_211 = arith.muli %scan3A_208, %mul3A_210 : i32
        %add3A_212 = arith.constant 0 : i32
        %add3A_213 = arith.addi %add3A_212, %mul3A_211 : i32
        %get3A = arith.index_cast %add3A_213 : i32 to index
        %get3A_214 = tpu.vector_load %arg16[%get3A] {strides = array<i32>} : memref<2048xf32, #tpu.memory_space<vmem>>, vector<16xf32>,
        %add3A_215 = arith.constant 0 : i32
        %add3A_216 = arith.addi %add3A_215, %mul3A_211 : i32
        %get3A_217 = arith.index_cast %add3A_216 : i32 to index
        %get3A_218 = tpu.vector_load %arg17[%get3A_217] {strides = array<i32>} : memref<2048xf32, #tpu.memory_space<vmem>>, vector<16xf32>,
        %get3A_219 = arith.constant 0 : i32
        %get3A_220 = arith.index_cast %get3A_219 : i32 to index
        %get3A_221 = arith.index_cast %mul3A_211 : i32 to index
        %get3A_222 = tpu.vector_load %arg13[%get3A_220, %get3A_221] {strides = array<i32>} : memref<16x1024xf32, #tpu.memory_space<vmem>>, vector<16xf32>,
        %sub3A_223 = arith.subf %get3A_222, %broadcast_in_dim3A_91 : vector<16xf32>
        %mul3A_224 = arith.mulf %sub3A_223, %broadcast_in_dim3A_139 : vector<16xf32>
        %mul3A_225 = arith.mulf %mul3A_224, %get3A_214 : vector<16xf32>
        %add3A_226 = arith.addf %mul3A_225, %get3A_218 : vector<16xf32>
        %swap3A = arith.constant 0 : i32
        %swap3A_227 = arith.index_cast %swap3A : i32 to index
        %swap3A_228 = arith.index_cast %mul3A_211 : i32 to index
        %swap3A_229 = tpu.vector_load %arg13[%swap3A_227, %swap3A_228] {strides = array<i32>} : memref<16x1024xf32, #tpu.memory_space<vmem>>, vector<16xf32>,
        tpu.vector_store %arg13[%swap3A_227, %swap3A_228], %add3A_226 {strides = array<i32>} : memref<16x1024xf32, #tpu.memory_space<vmem>>, vector<16xf32>,
        %get3A_230 = arith.constant 1 : i32
        %get3A_231 = arith.index_cast %get3A_230 : i32 to index
        %get3A_232 = arith.index_cast %mul3A_211 : i32 to index
        %get3A_233 = tpu.vector_load %arg13[%get3A_231, %get3A_232] {strides = array<i32>} : memref<16x1024xf32, #tpu.memory_space<vmem>>, vector<16xf32>,
        %sub3A_234 = arith.subf %get3A_233, %broadcast_in_dim3A_94 : vector<16xf32>
        %mul3A_235 = arith.mulf %sub3A_234, %broadcast_in_dim3A_142 : vector<16xf32>
        %mul3A_236 = arith.mulf %mul3A_235, %get3A_214 : vector<16xf32>
        %add3A_237 = arith.addf %mul3A_236, %get3A_218 : vector<16xf32>
        %swap3A_238 = arith.constant 1 : i32
        %swap3A_239 = arith.index_cast %swap3A_238 : i32 to index
        %swap3A_240 = arith.index_cast %mul3A_211 : i32 to index
        %swap3A_241 = tpu.vector_load %arg13[%swap3A_239, %swap3A_240] {strides = array<i32>} : memref<16x1024xf32, #tpu.memory_space<vmem>>, vector<16xf32>,
        tpu.vector_store %arg13[%swap3A_239, %swap3A_240], %add3A_237 {strides = array<i32>} : memref<16x1024xf32, #tpu.memory_space<vmem>>, vector<16xf32>,
        %get3A_242 = arith.constant 2 : i32
        %get3A_243 = arith.index_cast %get3A_242 : i32 to index
        %get3A_244 = arith.index_cast %mul3A_211 : i32 to index
        %get3A_245 = tpu.vector_load %arg13[%get3A_243, %get3A_244] {strides = array<i32>} : memref<16x1024xf32, #tpu.memory_space<vmem>>, vector<16xf32>,
        %sub3A_246 = arith.subf %get3A_245, %broadcast_in_dim3A_97 : vector<16xf32>
        %mul3A_247 = arith.mulf %sub3A_246, %broadcast_in_dim3A_145 : vector<16xf32>
        %mul3A_248 = arith.mulf %mul3A_247, %get3A_214 : vector<16xf32>
        %add3A_249 = arith.addf %mul3A_248, %get3A_218 : vector<16xf32>
        %swap3A_250 = arith.constant 2 : i32
        %swap3A_251 = arith.index_cast %swap3A_250 : i32 to index
        %swap3A_252 = arith.index_cast %mul3A_211 : i32 to index
        %swap3A_253 = tpu.vector_load %arg13[%swap3A_251, %swap3A_252] {strides = array<i32>} : memref<16x1024xf32, #tpu.memory_space<vmem>>, vector<16xf32>,
        tpu.vector_store %arg13[%swap3A_251, %swap3A_252], %add3A_249 {strides = array<i32>} : memref<16x1024xf32, #tpu.memory_space<vmem>>, vector<16xf32>,
        %get3A_254 = arith.constant 3 : i32
        %get3A_255 = arith.index_cast %get3A_254 : i32 to index
        %get3A_256 = arith.index_cast %mul3A_211 : i32 to index
        %get3A_257 = tpu.vector_load %arg13[%get3A_255, %get3A_256] {strides = array<i32>} : memref<16x1024xf32, #tpu.memory_space<vmem>>, vector<16xf32>,
        %sub3A_258 = arith.subf %get3A_257, %broadcast_in_dim3A_100 : vector<16xf32>
        %mul3A_259 = arith.mulf %sub3A_258, %broadcast_in_dim3A_148 : vector<16xf32>
        %mul3A_260 = arith.mulf %mul3A_259, %get3A_214 : vector<16xf32>
        %add3A_261 = arith.addf %mul3A_260, %get3A_218 : vector<16xf32>
        %swap3A_262 = arith.constant 3 : i32
        %swap3A_263 = arith.index_cast %swap3A_262 : i32 to index
        %swap3A_264 = arith.index_cast %mul3A_211 : i32 to index
        %swap3A_265 = tpu.vector_load %arg13[%swap3A_263, %swap3A_264] {strides = array<i32>} : memref<16x1024xf32, #tpu.memory_space<vmem>>, vector<16xf32>,
        tpu.vector_store %arg13[%swap3A_263, %swap3A_264], %add3A_261 {strides = array<i32>} : memref<16x1024xf32, #tpu.memory_space<vmem>>, vector<16xf32>,
        %get3A_266 = arith.constant 4 : i32
        %get3A_267 = arith.index_cast %get3A_266 : i32 to index
        %get3A_268 = arith.index_cast %mul3A_211 : i32 to index
        %get3A_269 = tpu.vector_load %arg13[%get3A_267, %get3A_268] {strides = array<i32>} : memref<16x1024xf32, #tpu.memory_space<vmem>>, vector<16xf32>,
        %sub3A_270 = arith.subf %get3A_269, %broadcast_in_dim3A_103 : vector<16xf32>
        %mul3A_271 = arith.mulf %sub3A_270, %broadcast_in_dim3A_151 : vector<16xf32>
        %mul3A_272 = arith.mulf %mul3A_271, %get3A_214 : vector<16xf32>
        %add3A_273 = arith.addf %mul3A_272, %get3A_218 : vector<16xf32>
        %swap3A_274 = arith.constant 4 : i32
        %swap3A_275 = arith.index_cast %swap3A_274 : i32 to index
        %swap3A_276 = arith.index_cast %mul3A_211 : i32 to index
        %swap3A_277 = tpu.vector_load %arg13[%swap3A_275, %swap3A_276] {strides = array<i32>} : memref<16x1024xf32, #tpu.memory_space<vmem>>, vector<16xf32>,
        tpu.vector_store %arg13[%swap3A_275, %swap3A_276], %add3A_273 {strides = array<i32>} : memref<16x1024xf32, #tpu.memory_space<vmem>>, vector<16xf32>,
        %get3A_278 = arith.constant 5 : i32
        %get3A_279 = arith.index_cast %get3A_278 : i32 to index
        %get3A_280 = arith.index_cast %mul3A_211 : i32 to index
        %get3A_281 = tpu.vector_load %arg13[%get3A_279, %get3A_280] {strides = array<i32>} : memref<16x1024xf32, #tpu.memory_space<vmem>>, vector<16xf32>,
        %sub3A_282 = arith.subf %get3A_281, %broadcast_in_dim3A_106 : vector<16xf32>
        %mul3A_283 = arith.mulf %sub3A_282, %broadcast_in_dim3A_154 : vector<16xf32>
        %mul3A_284 = arith.mulf %mul3A_283, %get3A_214 : vector<16xf32>
        %add3A_285 = arith.addf %mul3A_284, %get3A_218 : vector<16xf32>
        %swap3A_286 = arith.constant 5 : i32
        %swap3A_287 = arith.index_cast %swap3A_286 : i32 to index
        %swap3A_288 = arith.index_cast %mul3A_211 : i32 to index
        %swap3A_289 = tpu.vector_load %arg13[%swap3A_287, %swap3A_288] {strides = array<i32>} : memref<16x1024xf32, #tpu.memory_space<vmem>>, vector<16xf32>,
        tpu.vector_store %arg13[%swap3A_287, %swap3A_288], %add3A_285 {strides = array<i32>} : memref<16x1024xf32, #tpu.memory_space<vmem>>, vector<16xf32>,
        %get3A_290 = arith.constant 6 : i32
        %get3A_291 = arith.index_cast %get3A_290 : i32 to index
        %get3A_292 = arith.index_cast %mul3A_211 : i32 to index
        %get3A_293 = tpu.vector_load %arg13[%get3A_291, %get3A_292] {strides = array<i32>} : memref<16x1024xf32, #tpu.memory_space<vmem>>, vector<16xf32>,
        %sub3A_294 = arith.subf %get3A_293, %broadcast_in_dim3A_109 : vector<16xf32>
        %mul3A_295 = arith.mulf %sub3A_294, %broadcast_in_dim3A_157 : vector<16xf32>
        %mul3A_296 = arith.mulf %mul3A_295, %get3A_214 : vector<16xf32>
        %add3A_297 = arith.addf %mul3A_296, %get3A_218 : vector<16xf32>
        %swap3A_298 = arith.constant 6 : i32
        %swap3A_299 = arith.index_cast %swap3A_298 : i32 to index
        %swap3A_300 = arith.index_cast %mul3A_211 : i32 to index
        %swap3A_301 = tpu.vector_load %arg13[%swap3A_299, %swap3A_300] {strides = array<i32>} : memref<16x1024xf32, #tpu.memory_space<vmem>>, vector<16xf32>,
        tpu.vector_store %arg13[%swap3A_299, %swap3A_300], %add3A_297 {strides = array<i32>} : memref<16x1024xf32, #tpu.memory_space<vmem>>, vector<16xf32>,
        %get3A_302 = arith.constant 7 : i32
        %get3A_303 = arith.index_cast %get3A_302 : i32 to index
        %get3A_304 = arith.index_cast %mul3A_211 : i32 to index
        %get3A_305 = tpu.vector_load %arg13[%get3A_303, %get3A_304] {strides = array<i32>} : memref<16x1024xf32, #tpu.memory_space<vmem>>, vector<16xf32>,
        %sub3A_306 = arith.subf %get3A_305, %broadcast_in_dim3A_112 : vector<16xf32>
        %mul3A_307 = arith.mulf %sub3A_306, %broadcast_in_dim3A_160 : vector<16xf32>
        %mul3A_308 = arith.mulf %mul3A_307, %get3A_214 : vector<16xf32>
        %add3A_309 = arith.addf %mul3A_308, %get3A_218 : vector<16xf32>
        %swap3A_310 = arith.constant 7 : i32
        %swap3A_311 = arith.index_cast %swap3A_310 : i32 to index
        %swap3A_312 = arith.index_cast %mul3A_211 : i32 to index
        %swap3A_313 = tpu.vector_load %arg13[%swap3A_311, %swap3A_312] {strides = array<i32>} : memref<16x1024xf32, #tpu.memory_space<vmem>>, vector<16xf32>,
        tpu.vector_store %arg13[%swap3A_311, %swap3A_312], %add3A_309 {strides = array<i32>} : memref<16x1024xf32, #tpu.memory_space<vmem>>, vector<16xf32>,
        %get3A_314 = arith.constant 8 : i32
        %get3A_315 = arith.index_cast %get3A_314 : i32 to index
        %get3A_316 = arith.index_cast %mul3A_211 : i32 to index
        %get3A_317 = tpu.vector_load %arg13[%get3A_315, %get3A_316] {strides = array<i32>} : memref<16x1024xf32, #tpu.memory_space<vmem>>, vector<16xf32>,
        %sub3A_318 = arith.subf %get3A_317, %broadcast_in_dim3A_115 : vector<16xf32>
        %mul3A_319 = arith.mulf %sub3A_318, %broadcast_in_dim3A_163 : vector<16xf32>
        %mul3A_320 = arith.mulf %mul3A_319, %get3A_214 : vector<16xf32>
        %add3A_321 = arith.addf %mul3A_320, %get3A_218 : vector<16xf32>
        %swap3A_322 = arith.constant 8 : i32
        %swap3A_323 = arith.index_cast %swap3A_322 : i32 to index
        %swap3A_324 = arith.index_cast %mul3A_211 : i32 to index
        %swap3A_325 = tpu.vector_load %arg13[%swap3A_323, %swap3A_324] {strides = array<i32>} : memref<16x1024xf32, #tpu.memory_space<vmem>>, vector<16xf32>,
        tpu.vector_store %arg13[%swap3A_323, %swap3A_324], %add3A_321 {strides = array<i32>} : memref<16x1024xf32, #tpu.memory_space<vmem>>, vector<16xf32>,
        %get3A_326 = arith.constant 9 : i32
        %get3A_327 = arith.index_cast %get3A_326 : i32 to index
        %get3A_328 = arith.index_cast %mul3A_211 : i32 to index
        %get3A_329 = tpu.vector_load %arg13[%get3A_327, %get3A_328] {strides = array<i32>} : memref<16x1024xf32, #tpu.memory_space<vmem>>, vector<16xf32>,
        %sub3A_330 = arith.subf %get3A_329, %broadcast_in_dim3A_118 : vector<16xf32>
        %mul3A_331 = arith.mulf %sub3A_330, %broadcast_in_dim3A_166 : vector<16xf32>
        %mul3A_332 = arith.mulf %mul3A_331, %get3A_214 : vector<16xf32>
        %add3A_333 = arith.addf %mul3A_332, %get3A_218 : vector<16xf32>
        %swap3A_334 = arith.constant 9 : i32
        %swap3A_335 = arith.index_cast %swap3A_334 : i32 to index
        %swap3A_336 = arith.index_cast %mul3A_211 : i32 to index
        %swap3A_337 = tpu.vector_load %arg13[%swap3A_335, %swap3A_336] {strides = array<i32>} : memref<16x1024xf32, #tpu.memory_space<vmem>>, vector<16xf32>,
        tpu.vector_store %arg13[%swap3A_335, %swap3A_336], %add3A_333 {strides = array<i32>} : memref<16x1024xf32, #tpu.memory_space<vmem>>, vector<16xf32>,
        %get3A_338 = arith.constant 10 : i32
        %get3A_339 = arith.index_cast %get3A_338 : i32 to index
        %get3A_340 = arith.index_cast %mul3A_211 : i32 to index
        %get3A_341 = tpu.vector_load %arg13[%get3A_339, %get3A_340] {strides = array<i32>} : memref<16x1024xf32, #tpu.memory_space<vmem>>, vector<16xf32>,
        %sub3A_342 = arith.subf %get3A_341, %broadcast_in_dim3A_121 : vector<16xf32>
        %mul3A_343 = arith.mulf %sub3A_342, %broadcast_in_dim3A_169 : vector<16xf32>
        %mul3A_344 = arith.mulf %mul3A_343, %get3A_214 : vector<16xf32>
        %add3A_345 = arith.addf %mul3A_344, %get3A_218 : vector<16xf32>
        %swap3A_346 = arith.constant 10 : i32
        %swap3A_347 = arith.index_cast %swap3A_346 : i32 to index
        %swap3A_348 = arith.index_cast %mul3A_211 : i32 to index
        %swap3A_349 = tpu.vector_load %arg13[%swap3A_347, %swap3A_348] {strides = array<i32>} : memref<16x1024xf32, #tpu.memory_space<vmem>>, vector<16xf32>,
        tpu.vector_store %arg13[%swap3A_347, %swap3A_348], %add3A_345 {strides = array<i32>} : memref<16x1024xf32, #tpu.memory_space<vmem>>, vector<16xf32>,
        %get3A_350 = arith.constant 11 : i32
        %get3A_351 = arith.index_cast %get3A_350 : i32 to index
        %get3A_352 = arith.index_cast %mul3A_211 : i32 to index
        %get3A_353 = tpu.vector_load %arg13[%get3A_351, %get3A_352] {strides = array<i32>} : memref<16x1024xf32, #tpu.memory_space<vmem>>, vector<16xf32>,
        %sub3A_354 = arith.subf %get3A_353, %broadcast_in_dim3A_124 : vector<16xf32>
        %mul3A_355 = arith.mulf %sub3A_354, %broadcast_in_dim3A_172 : vector<16xf32>
        %mul3A_356 = arith.mulf %mul3A_355, %get3A_214 : vector<16xf32>
        %add3A_357 = arith.addf %mul3A_356, %get3A_218 : vector<16xf32>
        %swap3A_358 = arith.constant 11 : i32
        %swap3A_359 = arith.index_cast %swap3A_358 : i32 to index
        %swap3A_360 = arith.index_cast %mul3A_211 : i32 to index
        %swap3A_361 = tpu.vector_load %arg13[%swap3A_359, %swap3A_360] {strides = array<i32>} : memref<16x1024xf32, #tpu.memory_space<vmem>>, vector<16xf32>,
        tpu.vector_store %arg13[%swap3A_359, %swap3A_360], %add3A_357 {strides = array<i32>} : memref<16x1024xf32, #tpu.memory_space<vmem>>, vector<16xf32>,
        %get3A_362 = arith.constant 12 : i32
        %get3A_363 = arith.index_cast %get3A_362 : i32 to index
        %get3A_364 = arith.index_cast %mul3A_211 : i32 to index
        %get3A_365 = tpu.vector_load %arg13[%get3A_363, %get3A_364] {strides = array<i32>} : memref<16x1024xf32, #tpu.memory_space<vmem>>, vector<16xf32>,
        %sub3A_366 = arith.subf %get3A_365, %broadcast_in_dim3A_127 : vector<16xf32>
        %mul3A_367 = arith.mulf %sub3A_366, %broadcast_in_dim3A_175 : vector<16xf32>
        %mul3A_368 = arith.mulf %mul3A_367, %get3A_214 : vector<16xf32>
        %add3A_369 = arith.addf %mul3A_368, %get3A_218 : vector<16xf32>
        %swap3A_370 = arith.constant 12 : i32
        %swap3A_371 = arith.index_cast %swap3A_370 : i32 to index
        %swap3A_372 = arith.index_cast %mul3A_211 : i32 to index
        %swap3A_373 = tpu.vector_load %arg13[%swap3A_371, %swap3A_372] {strides = array<i32>} : memref<16x1024xf32, #tpu.memory_space<vmem>>, vector<16xf32>,
        tpu.vector_store %arg13[%swap3A_371, %swap3A_372], %add3A_369 {strides = array<i32>} : memref<16x1024xf32, #tpu.memory_space<vmem>>, vector<16xf32>,
        %get3A_374 = arith.constant 13 : i32
        %get3A_375 = arith.index_cast %get3A_374 : i32 to index
        %get3A_376 = arith.index_cast %mul3A_211 : i32 to index
        %get3A_377 = tpu.vector_load %arg13[%get3A_375, %get3A_376] {strides = array<i32>} : memref<16x1024xf32, #tpu.memory_space<vmem>>, vector<16xf32>,
        %sub3A_378 = arith.subf %get3A_377, %broadcast_in_dim3A_130 : vector<16xf32>
        %mul3A_379 = arith.mulf %sub3A_378, %broadcast_in_dim3A_178 : vector<16xf32>
        %mul3A_380 = arith.mulf %mul3A_379, %get3A_214 : vector<16xf32>
        %add3A_381 = arith.addf %mul3A_380, %get3A_218 : vector<16xf32>
        %swap3A_382 = arith.constant 13 : i32
        %swap3A_383 = arith.index_cast %swap3A_382 : i32 to index
        %swap3A_384 = arith.index_cast %mul3A_211 : i32 to index
        %swap3A_385 = tpu.vector_load %arg13[%swap3A_383, %swap3A_384] {strides = array<i32>} : memref<16x1024xf32, #tpu.memory_space<vmem>>, vector<16xf32>,
        tpu.vector_store %arg13[%swap3A_383, %swap3A_384], %add3A_381 {strides = array<i32>} : memref<16x1024xf32, #tpu.memory_space<vmem>>, vector<16xf32>,
        %get3A_386 = arith.constant 14 : i32
        %get3A_387 = arith.index_cast %get3A_386 : i32 to index
        %get3A_388 = arith.index_cast %mul3A_211 : i32 to index
        %get3A_389 = tpu.vector_load %arg13[%get3A_387, %get3A_388] {strides = array<i32>} : memref<16x1024xf32, #tpu.memory_space<vmem>>, vector<16xf32>,
        %sub3A_390 = arith.subf %get3A_389, %broadcast_in_dim3A_133 : vector<16xf32>
        %mul3A_391 = arith.mulf %sub3A_390, %broadcast_in_dim3A_181 : vector<16xf32>
        %mul3A_392 = arith.mulf %mul3A_391, %get3A_214 : vector<16xf32>
        %add3A_393 = arith.addf %mul3A_392, %get3A_218 : vector<16xf32>
        %swap3A_394 = arith.constant 14 : i32
        %swap3A_395 = arith.index_cast %swap3A_394 : i32 to index
        %swap3A_396 = arith.index_cast %mul3A_211 : i32 to index
        %swap3A_397 = tpu.vector_load %arg13[%swap3A_395, %swap3A_396] {strides = array<i32>} : memref<16x1024xf32, #tpu.memory_space<vmem>>, vector<16xf32>,
        tpu.vector_store %arg13[%swap3A_395, %swap3A_396], %add3A_393 {strides = array<i32>} : memref<16x1024xf32, #tpu.memory_space<vmem>>, vector<16xf32>,
        %get3A_398 = arith.constant 15 : i32
        %get3A_399 = arith.index_cast %get3A_398 : i32 to index
        %get3A_400 = arith.index_cast %mul3A_211 : i32 to index
        %get3A_401 = tpu.vector_load %arg13[%get3A_399, %get3A_400] {strides = array<i32>} : memref<16x1024xf32, #tpu.memory_space<vmem>>, vector<16xf32>,
        %sub3A_402 = arith.subf %get3A_401, %broadcast_in_dim3A_136 : vector<16xf32>
        %mul3A_403 = arith.mulf %sub3A_402, %broadcast_in_dim3A_184 : vector<16xf32>
        %mul3A_404 = arith.mulf %mul3A_403, %get3A_214 : vector<16xf32>
        %add3A_405 = arith.addf %mul3A_404, %get3A_218 : vector<16xf32>
        %swap3A_406 = arith.constant 15 : i32
        %swap3A_407 = arith.index_cast %swap3A_406 : i32 to index
        %swap3A_408 = arith.index_cast %mul3A_211 : i32 to index
        %swap3A_409 = tpu.vector_load %arg13[%swap3A_407, %swap3A_408] {strides = array<i32>} : memref<16x1024xf32, #tpu.memory_space<vmem>>, vector<16xf32>,
        tpu.vector_store %arg13[%swap3A_407, %swap3A_408], %add3A_405 {strides = array<i32>} : memref<16x1024xf32, #tpu.memory_space<vmem>>, vector<16xf32>,
        %scan3A_410 = arith.constant 0 : i32
        scf.yield %scan3A_410 : i32
      }
      %scan3A_191 = arith.constant 64 : i32
      %scan3A_192 = arith.constant 0 : i32
      %scan3A_193 = arith.constant 0 : i32
      %scan3A_194 = arith.constant 32 : i32
      %scan3A_195 = arith.addi %scan3A_193, %scan3A_194 : i32
      %scan3A_196 = arith.constant 1 : i32
      %scan3A_197 = scf.for %scan3A_208 = %scan3A_193 to %scan3A_195 step %scan3A_196 iter_args(%scan3A_209 = %scan3A_192) -> (i32)  : i32 {
        %mul3A_210 = arith.constant 16 : i32
        %mul3A_211 = arith.muli %scan3A_208, %mul3A_210 : i32
        %add3A_212 = arith.constant 1024 : i32
        %add3A_213 = arith.addi %add3A_212, %mul3A_211 : i32
        %get3A = arith.index_cast %add3A_213 : i32 to index
        %get3A_214 = tpu.vector_load %arg16[%get3A] {strides = array<i32>} : memref<2048xf32, #tpu.memory_space<vmem>>, vector<16xf32>,
        %add3A_215 = arith.constant 1024 : i32
        %add3A_216 = arith.addi %add3A_215, %mul3A_211 : i32
        %get3A_217 = arith.index_cast %add3A_216 : i32 to index
        %get3A_218 = tpu.vector_load %arg17[%get3A_217] {strides = array<i32>} : memref<2048xf32, #tpu.memory_space<vmem>>, vector<16xf32>,
        %get3A_219 = arith.constant 0 : i32
        %get3A_220 = arith.index_cast %get3A_219 : i32 to index
        %get3A_221 = arith.index_cast %mul3A_211 : i32 to index
        %get3A_222 = tpu.vector_load %arg14[%get3A_220, %get3A_221] {strides = array<i32>} : memref<16x512xf32, #tpu.memory_space<vmem>>, vector<16xf32>,
        %sub3A_223 = arith.subf %get3A_222, %broadcast_in_dim3A_91 : vector<16xf32>
        %mul3A_224 = arith.mulf %sub3A_223, %broadcast_in_dim3A_139 : vector<16xf32>
        %mul3A_225 = arith.mulf %mul3A_224, %get3A_214 : vector<16xf32>
        %add3A_226 = arith.addf %mul3A_225, %get3A_218 : vector<16xf32>
        %swap3A = arith.constant 0 : i32
        %swap3A_227 = arith.index_cast %swap3A : i32 to index
        %swap3A_228 = arith.index_cast %mul3A_211 : i32 to index
        %swap3A_229 = tpu.vector_load %arg14[%swap3A_227, %swap3A_228] {strides = array<i32>} : memref<16x512xf32, #tpu.memory_space<vmem>>, vector<16xf32>,
        tpu.vector_store %arg14[%swap3A_227, %swap3A_228], %add3A_226 {strides = array<i32>} : memref<16x512xf32, #tpu.memory_space<vmem>>, vector<16xf32>,
        %get3A_230 = arith.constant 1 : i32
        %get3A_231 = arith.index_cast %get3A_230 : i32 to index
        %get3A_232 = arith.index_cast %mul3A_211 : i32 to index
        %get3A_233 = tpu.vector_load %arg14[%get3A_231, %get3A_232] {strides = array<i32>} : memref<16x512xf32, #tpu.memory_space<vmem>>, vector<16xf32>,
        %sub3A_234 = arith.subf %get3A_233, %broadcast_in_dim3A_94 : vector<16xf32>
        %mul3A_235 = arith.mulf %sub3A_234, %broadcast_in_dim3A_142 : vector<16xf32>
        %mul3A_236 = arith.mulf %mul3A_235, %get3A_214 : vector<16xf32>
        %add3A_237 = arith.addf %mul3A_236, %get3A_218 : vector<16xf32>
        %swap3A_238 = arith.constant 1 : i32
        %swap3A_239 = arith.index_cast %swap3A_238 : i32 to index
        %swap3A_240 = arith.index_cast %mul3A_211 : i32 to index
        %swap3A_241 = tpu.vector_load %arg14[%swap3A_239, %swap3A_240] {strides = array<i32>} : memref<16x512xf32, #tpu.memory_space<vmem>>, vector<16xf32>,
        tpu.vector_store %arg14[%swap3A_239, %swap3A_240], %add3A_237 {strides = array<i32>} : memref<16x512xf32, #tpu.memory_space<vmem>>, vector<16xf32>,
        %get3A_242 = arith.constant 2 : i32
        %get3A_243 = arith.index_cast %get3A_242 : i32 to index
        %get3A_244 = arith.index_cast %mul3A_211 : i32 to index
        %get3A_245 = tpu.vector_load %arg14[%get3A_243, %get3A_244] {strides = array<i32>} : memref<16x512xf32, #tpu.memory_space<vmem>>, vector<16xf32>,
        %sub3A_246 = arith.subf %get3A_245, %broadcast_in_dim3A_97 : vector<16xf32>
        %mul3A_247 = arith.mulf %sub3A_246, %broadcast_in_dim3A_145 : vector<16xf32>
        %mul3A_248 = arith.mulf %mul3A_247, %get3A_214 : vector<16xf32>
        %add3A_249 = arith.addf %mul3A_248, %get3A_218 : vector<16xf32>
        %swap3A_250 = arith.constant 2 : i32
        %swap3A_251 = arith.index_cast %swap3A_250 : i32 to index
        %swap3A_252 = arith.index_cast %mul3A_211 : i32 to index
        %swap3A_253 = tpu.vector_load %arg14[%swap3A_251, %swap3A_252] {strides = array<i32>} : memref<16x512xf32, #tpu.memory_space<vmem>>, vector<16xf32>,
        tpu.vector_store %arg14[%swap3A_251, %swap3A_252], %add3A_249 {strides = array<i32>} : memref<16x512xf32, #tpu.memory_space<vmem>>, vector<16xf32>,
        %get3A_254 = arith.constant 3 : i32
        %get3A_255 = arith.index_cast %get3A_254 : i32 to index
        %get3A_256 = arith.index_cast %mul3A_211 : i32 to index
        %get3A_257 = tpu.vector_load %arg14[%get3A_255, %get3A_256] {strides = array<i32>} : memref<16x512xf32, #tpu.memory_space<vmem>>, vector<16xf32>,
        %sub3A_258 = arith.subf %get3A_257, %broadcast_in_dim3A_100 : vector<16xf32>
        %mul3A_259 = arith.mulf %sub3A_258, %broadcast_in_dim3A_148 : vector<16xf32>
        %mul3A_260 = arith.mulf %mul3A_259, %get3A_214 : vector<16xf32>
        %add3A_261 = arith.addf %mul3A_260, %get3A_218 : vector<16xf32>
        %swap3A_262 = arith.constant 3 : i32
        %swap3A_263 = arith.index_cast %swap3A_262 : i32 to index
        %swap3A_264 = arith.index_cast %mul3A_211 : i32 to index
        %swap3A_265 = tpu.vector_load %arg14[%swap3A_263, %swap3A_264] {strides = array<i32>} : memref<16x512xf32, #tpu.memory_space<vmem>>, vector<16xf32>,
        tpu.vector_store %arg14[%swap3A_263, %swap3A_264], %add3A_261 {strides = array<i32>} : memref<16x512xf32, #tpu.memory_space<vmem>>, vector<16xf32>,
        %get3A_266 = arith.constant 4 : i32
        %get3A_267 = arith.index_cast %get3A_266 : i32 to index
        %get3A_268 = arith.index_cast %mul3A_211 : i32 to index
        %get3A_269 = tpu.vector_load %arg14[%get3A_267, %get3A_268] {strides = array<i32>} : memref<16x512xf32, #tpu.memory_space<vmem>>, vector<16xf32>,
        %sub3A_270 = arith.subf %get3A_269, %broadcast_in_dim3A_103 : vector<16xf32>
        %mul3A_271 = arith.mulf %sub3A_270, %broadcast_in_dim3A_151 : vector<16xf32>
        %mul3A_272 = arith.mulf %mul3A_271, %get3A_214 : vector<16xf32>
        %add3A_273 = arith.addf %mul3A_272, %get3A_218 : vector<16xf32>
        %swap3A_274 = arith.constant 4 : i32
        %swap3A_275 = arith.index_cast %swap3A_274 : i32 to index
        %swap3A_276 = arith.index_cast %mul3A_211 : i32 to index
        %swap3A_277 = tpu.vector_load %arg14[%swap3A_275, %swap3A_276] {strides = array<i32>} : memref<16x512xf32, #tpu.memory_space<vmem>>, vector<16xf32>,
        tpu.vector_store %arg14[%swap3A_275, %swap3A_276], %add3A_273 {strides = array<i32>} : memref<16x512xf32, #tpu.memory_space<vmem>>, vector<16xf32>,
        %get3A_278 = arith.constant 5 : i32
        %get3A_279 = arith.index_cast %get3A_278 : i32 to index
        %get3A_280 = arith.index_cast %mul3A_211 : i32 to index
        %get3A_281 = tpu.vector_load %arg14[%get3A_279, %get3A_280] {strides = array<i32>} : memref<16x512xf32, #tpu.memory_space<vmem>>, vector<16xf32>,
        %sub3A_282 = arith.subf %get3A_281, %broadcast_in_dim3A_106 : vector<16xf32>
        %mul3A_283 = arith.mulf %sub3A_282, %broadcast_in_dim3A_154 : vector<16xf32>
        %mul3A_284 = arith.mulf %mul3A_283, %get3A_214 : vector<16xf32>
        %add3A_285 = arith.addf %mul3A_284, %get3A_218 : vector<16xf32>
        %swap3A_286 = arith.constant 5 : i32
        %swap3A_287 = arith.index_cast %swap3A_286 : i32 to index
        %swap3A_288 = arith.index_cast %mul3A_211 : i32 to index
        %swap3A_289 = tpu.vector_load %arg14[%swap3A_287, %swap3A_288] {strides = array<i32>} : memref<16x512xf32, #tpu.memory_space<vmem>>, vector<16xf32>,
        tpu.vector_store %arg14[%swap3A_287, %swap3A_288], %add3A_285 {strides = array<i32>} : memref<16x512xf32, #tpu.memory_space<vmem>>, vector<16xf32>,
        %get3A_290 = arith.constant 6 : i32
        %get3A_291 = arith.index_cast %get3A_290 : i32 to index
        %get3A_292 = arith.index_cast %mul3A_211 : i32 to index
        %get3A_293 = tpu.vector_load %arg14[%get3A_291, %get3A_292] {strides = array<i32>} : memref<16x512xf32, #tpu.memory_space<vmem>>, vector<16xf32>,
        %sub3A_294 = arith.subf %get3A_293, %broadcast_in_dim3A_109 : vector<16xf32>
        %mul3A_295 = arith.mulf %sub3A_294, %broadcast_in_dim3A_157 : vector<16xf32>
        %mul3A_296 = arith.mulf %mul3A_295, %get3A_214 : vector<16xf32>
        %add3A_297 = arith.addf %mul3A_296, %get3A_218 : vector<16xf32>
        %swap3A_298 = arith.constant 6 : i32
        %swap3A_299 = arith.index_cast %swap3A_298 : i32 to index
        %swap3A_300 = arith.index_cast %mul3A_211 : i32 to index
        %swap3A_301 = tpu.vector_load %arg14[%swap3A_299, %swap3A_300] {strides = array<i32>} : memref<16x512xf32, #tpu.memory_space<vmem>>, vector<16xf32>,
        tpu.vector_store %arg14[%swap3A_299, %swap3A_300], %add3A_297 {strides = array<i32>} : memref<16x512xf32, #tpu.memory_space<vmem>>, vector<16xf32>,
        %get3A_302 = arith.constant 7 : i32
        %get3A_303 = arith.index_cast %get3A_302 : i32 to index
        %get3A_304 = arith.index_cast %mul3A_211 : i32 to index
        %get3A_305 = tpu.vector_load %arg14[%get3A_303, %get3A_304] {strides = array<i32>} : memref<16x512xf32, #tpu.memory_space<vmem>>, vector<16xf32>,
        %sub3A_306 = arith.subf %get3A_305, %broadcast_in_dim3A_112 : vector<16xf32>
        %mul3A_307 = arith.mulf %sub3A_306, %broadcast_in_dim3A_160 : vector<16xf32>
        %mul3A_308 = arith.mulf %mul3A_307, %get3A_214 : vector<16xf32>
        %add3A_309 = arith.addf %mul3A_308, %get3A_218 : vector<16xf32>
        %swap3A_310 = arith.constant 7 : i32
        %swap3A_311 = arith.index_cast %swap3A_310 : i32 to index
        %swap3A_312 = arith.index_cast %mul3A_211 : i32 to index
        %swap3A_313 = tpu.vector_load %arg14[%swap3A_311, %swap3A_312] {strides = array<i32>} : memref<16x512xf32, #tpu.memory_space<vmem>>, vector<16xf32>,
        tpu.vector_store %arg14[%swap3A_311, %swap3A_312], %add3A_309 {strides = array<i32>} : memref<16x512xf32, #tpu.memory_space<vmem>>, vector<16xf32>,
        %get3A_314 = arith.constant 8 : i32
        %get3A_315 = arith.index_cast %get3A_314 : i32 to index
        %get3A_316 = arith.index_cast %mul3A_211 : i32 to index
        %get3A_317 = tpu.vector_load %arg14[%get3A_315, %get3A_316] {strides = array<i32>} : memref<16x512xf32, #tpu.memory_space<vmem>>, vector<16xf32>,
        %sub3A_318 = arith.subf %get3A_317, %broadcast_in_dim3A_115 : vector<16xf32>
        %mul3A_319 = arith.mulf %sub3A_318, %broadcast_in_dim3A_163 : vector<16xf32>
        %mul3A_320 = arith.mulf %mul3A_319, %get3A_214 : vector<16xf32>
        %add3A_321 = arith.addf %mul3A_320, %get3A_218 : vector<16xf32>
        %swap3A_322 = arith.constant 8 : i32
        %swap3A_323 = arith.index_cast %swap3A_322 : i32 to index
        %swap3A_324 = arith.index_cast %mul3A_211 : i32 to index
        %swap3A_325 = tpu.vector_load %arg14[%swap3A_323, %swap3A_324] {strides = array<i32>} : memref<16x512xf32, #tpu.memory_space<vmem>>, vector<16xf32>,
        tpu.vector_store %arg14[%swap3A_323, %swap3A_324], %add3A_321 {strides = array<i32>} : memref<16x512xf32, #tpu.memory_space<vmem>>, vector<16xf32>,
        %get3A_326 = arith.constant 9 : i32
        %get3A_327 = arith.index_cast %get3A_326 : i32 to index
        %get3A_328 = arith.index_cast %mul3A_211 : i32 to index
        %get3A_329 = tpu.vector_load %arg14[%get3A_327, %get3A_328] {strides = array<i32>} : memref<16x512xf32, #tpu.memory_space<vmem>>, vector<16xf32>,
        %sub3A_330 = arith.subf %get3A_329, %broadcast_in_dim3A_118 : vector<16xf32>
        %mul3A_331 = arith.mulf %sub3A_330, %broadcast_in_dim3A_166 : vector<16xf32>
        %mul3A_332 = arith.mulf %mul3A_331, %get3A_214 : vector<16xf32>
        %add3A_333 = arith.addf %mul3A_332, %get3A_218 : vector<16xf32>
        %swap3A_334 = arith.constant 9 : i32
        %swap3A_335 = arith.index_cast %swap3A_334 : i32 to index
        %swap3A_336 = arith.index_cast %mul3A_211 : i32 to index
        %swap3A_337 = tpu.vector_load %arg14[%swap3A_335, %swap3A_336] {strides = array<i32>} : memref<16x512xf32, #tpu.memory_space<vmem>>, vector<16xf32>,
        tpu.vector_store %arg14[%swap3A_335, %swap3A_336], %add3A_333 {strides = array<i32>} : memref<16x512xf32, #tpu.memory_space<vmem>>, vector<16xf32>,
        %get3A_338 = arith.constant 10 : i32
        %get3A_339 = arith.index_cast %get3A_338 : i32 to index
        %get3A_340 = arith.index_cast %mul3A_211 : i32 to index
        %get3A_341 = tpu.vector_load %arg14[%get3A_339, %get3A_340] {strides = array<i32>} : memref<16x512xf32, #tpu.memory_space<vmem>>, vector<16xf32>,
        %sub3A_342 = arith.subf %get3A_341, %broadcast_in_dim3A_121 : vector<16xf32>
        %mul3A_343 = arith.mulf %sub3A_342, %broadcast_in_dim3A_169 : vector<16xf32>
        %mul3A_344 = arith.mulf %mul3A_343, %get3A_214 : vector<16xf32>
        %add3A_345 = arith.addf %mul3A_344, %get3A_218 : vector<16xf32>
        %swap3A_346 = arith.constant 10 : i32
        %swap3A_347 = arith.index_cast %swap3A_346 : i32 to index
        %swap3A_348 = arith.index_cast %mul3A_211 : i32 to index
        %swap3A_349 = tpu.vector_load %arg14[%swap3A_347, %swap3A_348] {strides = array<i32>} : memref<16x512xf32, #tpu.memory_space<vmem>>, vector<16xf32>,
        tpu.vector_store %arg14[%swap3A_347, %swap3A_348], %add3A_345 {strides = array<i32>} : memref<16x512xf32, #tpu.memory_space<vmem>>, vector<16xf32>,
        %get3A_350 = arith.constant 11 : i32
        %get3A_351 = arith.index_cast %get3A_350 : i32 to index
        %get3A_352 = arith.index_cast %mul3A_211 : i32 to index
        %get3A_353 = tpu.vector_load %arg14[%get3A_351, %get3A_352] {strides = array<i32>} : memref<16x512xf32, #tpu.memory_space<vmem>>, vector<16xf32>,
        %sub3A_354 = arith.subf %get3A_353, %broadcast_in_dim3A_124 : vector<16xf32>
        %mul3A_355 = arith.mulf %sub3A_354, %broadcast_in_dim3A_172 : vector<16xf32>
        %mul3A_356 = arith.mulf %mul3A_355, %get3A_214 : vector<16xf32>
        %add3A_357 = arith.addf %mul3A_356, %get3A_218 : vector<16xf32>
        %swap3A_358 = arith.constant 11 : i32
        %swap3A_359 = arith.index_cast %swap3A_358 : i32 to index
        %swap3A_360 = arith.index_cast %mul3A_211 : i32 to index
        %swap3A_361 = tpu.vector_load %arg14[%swap3A_359, %swap3A_360] {strides = array<i32>} : memref<16x512xf32, #tpu.memory_space<vmem>>, vector<16xf32>,
        tpu.vector_store %arg14[%swap3A_359, %swap3A_360], %add3A_357 {strides = array<i32>} : memref<16x512xf32, #tpu.memory_space<vmem>>, vector<16xf32>,
        %get3A_362 = arith.constant 12 : i32
        %get3A_363 = arith.index_cast %get3A_362 : i32 to index
        %get3A_364 = arith.index_cast %mul3A_211 : i32 to index
        %get3A_365 = tpu.vector_load %arg14[%get3A_363, %get3A_364] {strides = array<i32>} : memref<16x512xf32, #tpu.memory_space<vmem>>, vector<16xf32>,
        %sub3A_366 = arith.subf %get3A_365, %broadcast_in_dim3A_127 : vector<16xf32>
        %mul3A_367 = arith.mulf %sub3A_366, %broadcast_in_dim3A_175 : vector<16xf32>
        %mul3A_368 = arith.mulf %mul3A_367, %get3A_214 : vector<16xf32>
        %add3A_369 = arith.addf %mul3A_368, %get3A_218 : vector<16xf32>
        %swap3A_370 = arith.constant 12 : i32
        %swap3A_371 = arith.index_cast %swap3A_370 : i32 to index
        %swap3A_372 = arith.index_cast %mul3A_211 : i32 to index
        %swap3A_373 = tpu.vector_load %arg14[%swap3A_371, %swap3A_372] {strides = array<i32>} : memref<16x512xf32, #tpu.memory_space<vmem>>, vector<16xf32>,
        tpu.vector_store %arg14[%swap3A_371, %swap3A_372], %add3A_369 {strides = array<i32>} : memref<16x512xf32, #tpu.memory_space<vmem>>, vector<16xf32>,
        %get3A_374 = arith.constant 13 : i32
        %get3A_375 = arith.index_cast %get3A_374 : i32 to index
        %get3A_376 = arith.index_cast %mul3A_211 : i32 to index
        %get3A_377 = tpu.vector_load %arg14[%get3A_375, %get3A_376] {strides = array<i32>} : memref<16x512xf32, #tpu.memory_space<vmem>>, vector<16xf32>,
        %sub3A_378 = arith.subf %get3A_377, %broadcast_in_dim3A_130 : vector<16xf32>
        %mul3A_379 = arith.mulf %sub3A_378, %broadcast_in_dim3A_178 : vector<16xf32>
        %mul3A_380 = arith.mulf %mul3A_379, %get3A_214 : vector<16xf32>
        %add3A_381 = arith.addf %mul3A_380, %get3A_218 : vector<16xf32>
        %swap3A_382 = arith.constant 13 : i32
        %swap3A_383 = arith.index_cast %swap3A_382 : i32 to index
        %swap3A_384 = arith.index_cast %mul3A_211 : i32 to index
        %swap3A_385 = tpu.vector_load %arg14[%swap3A_383, %swap3A_384] {strides = array<i32>} : memref<16x512xf32, #tpu.memory_space<vmem>>, vector<16xf32>,
        tpu.vector_store %arg14[%swap3A_383, %swap3A_384], %add3A_381 {strides = array<i32>} : memref<16x512xf32, #tpu.memory_space<vmem>>, vector<16xf32>,
        %get3A_386 = arith.constant 14 : i32
        %get3A_387 = arith.index_cast %get3A_386 : i32 to index
        %get3A_388 = arith.index_cast %mul3A_211 : i32 to index
        %get3A_389 = tpu.vector_load %arg14[%get3A_387, %get3A_388] {strides = array<i32>} : memref<16x512xf32, #tpu.memory_space<vmem>>, vector<16xf32>,
        %sub3A_390 = arith.subf %get3A_389, %broadcast_in_dim3A_133 : vector<16xf32>
        %mul3A_391 = arith.mulf %sub3A_390, %broadcast_in_dim3A_181 : vector<16xf32>
        %mul3A_392 = arith.mulf %mul3A_391, %get3A_214 : vector<16xf32>
        %add3A_393 = arith.addf %mul3A_392, %get3A_218 : vector<16xf32>
        %swap3A_394 = arith.constant 14 : i32
        %swap3A_395 = arith.index_cast %swap3A_394 : i32 to index
        %swap3A_396 = arith.index_cast %mul3A_211 : i32 to index
        %swap3A_397 = tpu.vector_load %arg14[%swap3A_395, %swap3A_396] {strides = array<i32>} : memref<16x512xf32, #tpu.memory_space<vmem>>, vector<16xf32>,
        tpu.vector_store %arg14[%swap3A_395, %swap3A_396], %add3A_393 {strides = array<i32>} : memref<16x512xf32, #tpu.memory_space<vmem>>, vector<16xf32>,
        %get3A_398 = arith.constant 15 : i32
        %get3A_399 = arith.index_cast %get3A_398 : i32 to index
        %get3A_400 = arith.index_cast %mul3A_211 : i32 to index
        %get3A_401 = tpu.vector_load %arg14[%get3A_399, %get3A_400] {strides = array<i32>} : memref<16x512xf32, #tpu.memory_space<vmem>>, vector<16xf32>,
        %sub3A_402 = arith.subf %get3A_401, %broadcast_in_dim3A_136 : vector<16xf32>
        %mul3A_403 = arith.mulf %sub3A_402, %broadcast_in_dim3A_184 : vector<16xf32>
        %mul3A_404 = arith.mulf %mul3A_403, %get3A_214 : vector<16xf32>
        %add3A_405 = arith.addf %mul3A_404, %get3A_218 : vector<16xf32>
        %swap3A_406 = arith.constant 15 : i32
        %swap3A_407 = arith.index_cast %swap3A_406 : i32 to index
        %swap3A_408 = arith.index_cast %mul3A_211 : i32 to index
        %swap3A_409 = tpu.vector_load %arg14[%swap3A_407, %swap3A_408] {strides = array<i32>} : memref<16x512xf32, #tpu.memory_space<vmem>>, vector<16xf32>,
        tpu.vector_store %arg14[%swap3A_407, %swap3A_408], %add3A_405 {strides = array<i32>} : memref<16x512xf32, #tpu.memory_space<vmem>>, vector<16xf32>,
        %scan3A_410 = arith.constant 0 : i32
        scf.yield %scan3A_410 : i32
      }
      %scan3A_198 = arith.constant 32 : i32
      %scan3A_199 = arith.constant 0 : i32
      %scan3A_200 = arith.constant 0 : i32
      %scan3A_201 = arith.constant 32 : i32
      %scan3A_202 = arith.addi %scan3A_200, %scan3A_201 : i32
      %scan3A_203 = arith.constant 1 : i32
      %scan3A_204 = scf.for %scan3A_208 = %scan3A_200 to %scan3A_202 step %scan3A_203 iter_args(%scan3A_209 = %scan3A_199) -> (i32)  : i32 {
        %mul3A_210 = arith.constant 16 : i32
        %mul3A_211 = arith.muli %scan3A_208, %mul3A_210 : i32
        %add3A_212 = arith.constant 1536 : i32
        %add3A_213 = arith.addi %add3A_212, %mul3A_211 : i32
        %get3A = arith.index_cast %add3A_213 : i32 to index
        %get3A_214 = tpu.vector_load %arg16[%get3A] {strides = array<i32>} : memref<2048xf32, #tpu.memory_space<vmem>>, vector<16xf32>,
        %add3A_215 = arith.constant 1536 : i32
        %add3A_216 = arith.addi %add3A_215, %mul3A_211 : i32
        %get3A_217 = arith.index_cast %add3A_216 : i32 to index
        %get3A_218 = tpu.vector_load %arg17[%get3A_217] {strides = array<i32>} : memref<2048xf32, #tpu.memory_space<vmem>>, vector<16xf32>,
        %get3A_219 = arith.constant 0 : i32
        %get3A_220 = arith.index_cast %get3A_219 : i32 to index
        %get3A_221 = arith.index_cast %mul3A_211 : i32 to index
        %get3A_222 = tpu.vector_load %arg15[%get3A_220, %get3A_221] {strides = array<i32>} : memref<16x512xf32, #tpu.memory_space<vmem>>, vector<16xf32>,
        %sub3A_223 = arith.subf %get3A_222, %broadcast_in_dim3A_91 : vector<16xf32>
        %mul3A_224 = arith.mulf %sub3A_223, %broadcast_in_dim3A_139 : vector<16xf32>
        %mul3A_225 = arith.mulf %mul3A_224, %get3A_214 : vector<16xf32>
        %add3A_226 = arith.addf %mul3A_225, %get3A_218 : vector<16xf32>
        %swap3A = arith.constant 0 : i32
        %swap3A_227 = arith.index_cast %swap3A : i32 to index
        %swap3A_228 = arith.index_cast %mul3A_211 : i32 to index
        %swap3A_229 = tpu.vector_load %arg15[%swap3A_227, %swap3A_228] {strides = array<i32>} : memref<16x512xf32, #tpu.memory_space<vmem>>, vector<16xf32>,
        tpu.vector_store %arg15[%swap3A_227, %swap3A_228], %add3A_226 {strides = array<i32>} : memref<16x512xf32, #tpu.memory_space<vmem>>, vector<16xf32>,
        %get3A_230 = arith.constant 1 : i32
        %get3A_231 = arith.index_cast %get3A_230 : i32 to index
        %get3A_232 = arith.index_cast %mul3A_211 : i32 to index
        %get3A_233 = tpu.vector_load %arg15[%get3A_231, %get3A_232] {strides = array<i32>} : memref<16x512xf32, #tpu.memory_space<vmem>>, vector<16xf32>,
        %sub3A_234 = arith.subf %get3A_233, %broadcast_in_dim3A_94 : vector<16xf32>
        %mul3A_235 = arith.mulf %sub3A_234, %broadcast_in_dim3A_142 : vector<16xf32>
        %mul3A_236 = arith.mulf %mul3A_235, %get3A_214 : vector<16xf32>
        %add3A_237 = arith.addf %mul3A_236, %get3A_218 : vector<16xf32>
        %swap3A_238 = arith.constant 1 : i32
        %swap3A_239 = arith.index_cast %swap3A_238 : i32 to index
        %swap3A_240 = arith.index_cast %mul3A_211 : i32 to index
        %swap3A_241 = tpu.vector_load %arg15[%swap3A_239, %swap3A_240] {strides = array<i32>} : memref<16x512xf32, #tpu.memory_space<vmem>>, vector<16xf32>,
        tpu.vector_store %arg15[%swap3A_239, %swap3A_240], %add3A_237 {strides = array<i32>} : memref<16x512xf32, #tpu.memory_space<vmem>>, vector<16xf32>,
        %get3A_242 = arith.constant 2 : i32
        %get3A_243 = arith.index_cast %get3A_242 : i32 to index
        %get3A_244 = arith.index_cast %mul3A_211 : i32 to index
        %get3A_245 = tpu.vector_load %arg15[%get3A_243, %get3A_244] {strides = array<i32>} : memref<16x512xf32, #tpu.memory_space<vmem>>, vector<16xf32>,
        %sub3A_246 = arith.subf %get3A_245, %broadcast_in_dim3A_97 : vector<16xf32>
        %mul3A_247 = arith.mulf %sub3A_246, %broadcast_in_dim3A_145 : vector<16xf32>
        %mul3A_248 = arith.mulf %mul3A_247, %get3A_214 : vector<16xf32>
        %add3A_249 = arith.addf %mul3A_248, %get3A_218 : vector<16xf32>
        %swap3A_250 = arith.constant 2 : i32
        %swap3A_251 = arith.index_cast %swap3A_250 : i32 to index
        %swap3A_252 = arith.index_cast %mul3A_211 : i32 to index
        %swap3A_253 = tpu.vector_load %arg15[%swap3A_251, %swap3A_252] {strides = array<i32>} : memref<16x512xf32, #tpu.memory_space<vmem>>, vector<16xf32>,
        tpu.vector_store %arg15[%swap3A_251, %swap3A_252], %add3A_249 {strides = array<i32>} : memref<16x512xf32, #tpu.memory_space<vmem>>, vector<16xf32>,
        %get3A_254 = arith.constant 3 : i32
        %get3A_255 = arith.index_cast %get3A_254 : i32 to index
        %get3A_256 = arith.index_cast %mul3A_211 : i32 to index
        %get3A_257 = tpu.vector_load %arg15[%get3A_255, %get3A_256] {strides = array<i32>} : memref<16x512xf32, #tpu.memory_space<vmem>>, vector<16xf32>,
        %sub3A_258 = arith.subf %get3A_257, %broadcast_in_dim3A_100 : vector<16xf32>
        %mul3A_259 = arith.mulf %sub3A_258, %broadcast_in_dim3A_148 : vector<16xf32>
        %mul3A_260 = arith.mulf %mul3A_259, %get3A_214 : vector<16xf32>
        %add3A_261 = arith.addf %mul3A_260, %get3A_218 : vector<16xf32>
        %swap3A_262 = arith.constant 3 : i32
        %swap3A_263 = arith.index_cast %swap3A_262 : i32 to index
        %swap3A_264 = arith.index_cast %mul3A_211 : i32 to index
        %swap3A_265 = tpu.vector_load %arg15[%swap3A_263, %swap3A_264] {strides = array<i32>} : memref<16x512xf32, #tpu.memory_space<vmem>>, vector<16xf32>,
        tpu.vector_store %arg15[%swap3A_263, %swap3A_264], %add3A_261 {strides = array<i32>} : memref<16x512xf32, #tpu.memory_space<vmem>>, vector<16xf32>,
        %get3A_266 = arith.constant 4 : i32
        %get3A_267 = arith.index_cast %get3A_266 : i32 to index
        %get3A_268 = arith.index_cast %mul3A_211 : i32 to index
        %get3A_269 = tpu.vector_load %arg15[%get3A_267, %get3A_268] {strides = array<i32>} : memref<16x512xf32, #tpu.memory_space<vmem>>, vector<16xf32>,
        %sub3A_270 = arith.subf %get3A_269, %broadcast_in_dim3A_103 : vector<16xf32>
        %mul3A_271 = arith.mulf %sub3A_270, %broadcast_in_dim3A_151 : vector<16xf32>
        %mul3A_272 = arith.mulf %mul3A_271, %get3A_214 : vector<16xf32>
        %add3A_273 = arith.addf %mul3A_272, %get3A_218 : vector<16xf32>
        %swap3A_274 = arith.constant 4 : i32
        %swap3A_275 = arith.index_cast %swap3A_274 : i32 to index
        %swap3A_276 = arith.index_cast %mul3A_211 : i32 to index
        %swap3A_277 = tpu.vector_load %arg15[%swap3A_275, %swap3A_276] {strides = array<i32>} : memref<16x512xf32, #tpu.memory_space<vmem>>, vector<16xf32>,
        tpu.vector_store %arg15[%swap3A_275, %swap3A_276], %add3A_273 {strides = array<i32>} : memref<16x512xf32, #tpu.memory_space<vmem>>, vector<16xf32>,
        %get3A_278 = arith.constant 5 : i32
        %get3A_279 = arith.index_cast %get3A_278 : i32 to index
        %get3A_280 = arith.index_cast %mul3A_211 : i32 to index
        %get3A_281 = tpu.vector_load %arg15[%get3A_279, %get3A_280] {strides = array<i32>} : memref<16x512xf32, #tpu.memory_space<vmem>>, vector<16xf32>,
        %sub3A_282 = arith.subf %get3A_281, %broadcast_in_dim3A_106 : vector<16xf32>
        %mul3A_283 = arith.mulf %sub3A_282, %broadcast_in_dim3A_154 : vector<16xf32>
        %mul3A_284 = arith.mulf %mul3A_283, %get3A_214 : vector<16xf32>
        %add3A_285 = arith.addf %mul3A_284, %get3A_218 : vector<16xf32>
        %swap3A_286 = arith.constant 5 : i32
        %swap3A_287 = arith.index_cast %swap3A_286 : i32 to index
        %swap3A_288 = arith.index_cast %mul3A_211 : i32 to index
        %swap3A_289 = tpu.vector_load %arg15[%swap3A_287, %swap3A_288] {strides = array<i32>} : memref<16x512xf32, #tpu.memory_space<vmem>>, vector<16xf32>,
        tpu.vector_store %arg15[%swap3A_287, %swap3A_288], %add3A_285 {strides = array<i32>} : memref<16x512xf32, #tpu.memory_space<vmem>>, vector<16xf32>,
        %get3A_290 = arith.constant 6 : i32
        %get3A_291 = arith.index_cast %get3A_290 : i32 to index
        %get3A_292 = arith.index_cast %mul3A_211 : i32 to index
        %get3A_293 = tpu.vector_load %arg15[%get3A_291, %get3A_292] {strides = array<i32>} : memref<16x512xf32, #tpu.memory_space<vmem>>, vector<16xf32>,
        %sub3A_294 = arith.subf %get3A_293, %broadcast_in_dim3A_109 : vector<16xf32>
        %mul3A_295 = arith.mulf %sub3A_294, %broadcast_in_dim3A_157 : vector<16xf32>
        %mul3A_296 = arith.mulf %mul3A_295, %get3A_214 : vector<16xf32>
        %add3A_297 = arith.addf %mul3A_296, %get3A_218 : vector<16xf32>
        %swap3A_298 = arith.constant 6 : i32
        %swap3A_299 = arith.index_cast %swap3A_298 : i32 to index
        %swap3A_300 = arith.index_cast %mul3A_211 : i32 to index
        %swap3A_301 = tpu.vector_load %arg15[%swap3A_299, %swap3A_300] {strides = array<i32>} : memref<16x512xf32, #tpu.memory_space<vmem>>, vector<16xf32>,
        tpu.vector_store %arg15[%swap3A_299, %swap3A_300], %add3A_297 {strides = array<i32>} : memref<16x512xf32, #tpu.memory_space<vmem>>, vector<16xf32>,
        %get3A_302 = arith.constant 7 : i32
        %get3A_303 = arith.index_cast %get3A_302 : i32 to index
        %get3A_304 = arith.index_cast %mul3A_211 : i32 to index
        %get3A_305 = tpu.vector_load %arg15[%get3A_303, %get3A_304] {strides = array<i32>} : memref<16x512xf32, #tpu.memory_space<vmem>>, vector<16xf32>,
        %sub3A_306 = arith.subf %get3A_305, %broadcast_in_dim3A_112 : vector<16xf32>
        %mul3A_307 = arith.mulf %sub3A_306, %broadcast_in_dim3A_160 : vector<16xf32>
        %mul3A_308 = arith.mulf %mul3A_307, %get3A_214 : vector<16xf32>
        %add3A_309 = arith.addf %mul3A_308, %get3A_218 : vector<16xf32>
        %swap3A_310 = arith.constant 7 : i32
        %swap3A_311 = arith.index_cast %swap3A_310 : i32 to index
        %swap3A_312 = arith.index_cast %mul3A_211 : i32 to index
        %swap3A_313 = tpu.vector_load %arg15[%swap3A_311, %swap3A_312] {strides = array<i32>} : memref<16x512xf32, #tpu.memory_space<vmem>>, vector<16xf32>,
        tpu.vector_store %arg15[%swap3A_311, %swap3A_312], %add3A_309 {strides = array<i32>} : memref<16x512xf32, #tpu.memory_space<vmem>>, vector<16xf32>,
        %get3A_314 = arith.constant 8 : i32
        %get3A_315 = arith.index_cast %get3A_314 : i32 to index
        %get3A_316 = arith.index_cast %mul3A_211 : i32 to index
        %get3A_317 = tpu.vector_load %arg15[%get3A_315, %get3A_316] {strides = array<i32>} : memref<16x512xf32, #tpu.memory_space<vmem>>, vector<16xf32>,
        %sub3A_318 = arith.subf %get3A_317, %broadcast_in_dim3A_115 : vector<16xf32>
        %mul3A_319 = arith.mulf %sub3A_318, %broadcast_in_dim3A_163 : vector<16xf32>
        %mul3A_320 = arith.mulf %mul3A_319, %get3A_214 : vector<16xf32>
        %add3A_321 = arith.addf %mul3A_320, %get3A_218 : vector<16xf32>
        %swap3A_322 = arith.constant 8 : i32
        %swap3A_323 = arith.index_cast %swap3A_322 : i32 to index
        %swap3A_324 = arith.index_cast %mul3A_211 : i32 to index
        %swap3A_325 = tpu.vector_load %arg15[%swap3A_323, %swap3A_324] {strides = array<i32>} : memref<16x512xf32, #tpu.memory_space<vmem>>, vector<16xf32>,
        tpu.vector_store %arg15[%swap3A_323, %swap3A_324], %add3A_321 {strides = array<i32>} : memref<16x512xf32, #tpu.memory_space<vmem>>, vector<16xf32>,
        %get3A_326 = arith.constant 9 : i32
        %get3A_327 = arith.index_cast %get3A_326 : i32 to index
        %get3A_328 = arith.index_cast %mul3A_211 : i32 to index
        %get3A_329 = tpu.vector_load %arg15[%get3A_327, %get3A_328] {strides = array<i32>} : memref<16x512xf32, #tpu.memory_space<vmem>>, vector<16xf32>,
        %sub3A_330 = arith.subf %get3A_329, %broadcast_in_dim3A_118 : vector<16xf32>
        %mul3A_331 = arith.mulf %sub3A_330, %broadcast_in_dim3A_166 : vector<16xf32>
        %mul3A_332 = arith.mulf %mul3A_331, %get3A_214 : vector<16xf32>
        %add3A_333 = arith.addf %mul3A_332, %get3A_218 : vector<16xf32>
        %swap3A_334 = arith.constant 9 : i32
        %swap3A_335 = arith.index_cast %swap3A_334 : i32 to index
        %swap3A_336 = arith.index_cast %mul3A_211 : i32 to index
        %swap3A_337 = tpu.vector_load %arg15[%swap3A_335, %swap3A_336] {strides = array<i32>} : memref<16x512xf32, #tpu.memory_space<vmem>>, vector<16xf32>,
        tpu.vector_store %arg15[%swap3A_335, %swap3A_336], %add3A_333 {strides = array<i32>} : memref<16x512xf32, #tpu.memory_space<vmem>>, vector<16xf32>,
        %get3A_338 = arith.constant 10 : i32
        %get3A_339 = arith.index_cast %get3A_338 : i32 to index
        %get3A_340 = arith.index_cast %mul3A_211 : i32 to index
        %get3A_341 = tpu.vector_load %arg15[%get3A_339, %get3A_340] {strides = array<i32>} : memref<16x512xf32, #tpu.memory_space<vmem>>, vector<16xf32>,
        %sub3A_342 = arith.subf %get3A_341, %broadcast_in_dim3A_121 : vector<16xf32>
        %mul3A_343 = arith.mulf %sub3A_342, %broadcast_in_dim3A_169 : vector<16xf32>
        %mul3A_344 = arith.mulf %mul3A_343, %get3A_214 : vector<16xf32>
        %add3A_345 = arith.addf %mul3A_344, %get3A_218 : vector<16xf32>
        %swap3A_346 = arith.constant 10 : i32
        %swap3A_347 = arith.index_cast %swap3A_346 : i32 to index
        %swap3A_348 = arith.index_cast %mul3A_211 : i32 to index
        %swap3A_349 = tpu.vector_load %arg15[%swap3A_347, %swap3A_348] {strides = array<i32>} : memref<16x512xf32, #tpu.memory_space<vmem>>, vector<16xf32>,
        tpu.vector_store %arg15[%swap3A_347, %swap3A_348], %add3A_345 {strides = array<i32>} : memref<16x512xf32, #tpu.memory_space<vmem>>, vector<16xf32>,
        %get3A_350 = arith.constant 11 : i32
        %get3A_351 = arith.index_cast %get3A_350 : i32 to index
        %get3A_352 = arith.index_cast %mul3A_211 : i32 to index
        %get3A_353 = tpu.vector_load %arg15[%get3A_351, %get3A_352] {strides = array<i32>} : memref<16x512xf32, #tpu.memory_space<vmem>>, vector<16xf32>,
        %sub3A_354 = arith.subf %get3A_353, %broadcast_in_dim3A_124 : vector<16xf32>
        %mul3A_355 = arith.mulf %sub3A_354, %broadcast_in_dim3A_172 : vector<16xf32>
        %mul3A_356 = arith.mulf %mul3A_355, %get3A_214 : vector<16xf32>
        %add3A_357 = arith.addf %mul3A_356, %get3A_218 : vector<16xf32>
        %swap3A_358 = arith.constant 11 : i32
        %swap3A_359 = arith.index_cast %swap3A_358 : i32 to index
        %swap3A_360 = arith.index_cast %mul3A_211 : i32 to index
        %swap3A_361 = tpu.vector_load %arg15[%swap3A_359, %swap3A_360] {strides = array<i32>} : memref<16x512xf32, #tpu.memory_space<vmem>>, vector<16xf32>,
        tpu.vector_store %arg15[%swap3A_359, %swap3A_360], %add3A_357 {strides = array<i32>} : memref<16x512xf32, #tpu.memory_space<vmem>>, vector<16xf32>,
        %get3A_362 = arith.constant 12 : i32
        %get3A_363 = arith.index_cast %get3A_362 : i32 to index
        %get3A_364 = arith.index_cast %mul3A_211 : i32 to index
        %get3A_365 = tpu.vector_load %arg15[%get3A_363, %get3A_364] {strides = array<i32>} : memref<16x512xf32, #tpu.memory_space<vmem>>, vector<16xf32>,
        %sub3A_366 = arith.subf %get3A_365, %broadcast_in_dim3A_127 : vector<16xf32>
        %mul3A_367 = arith.mulf %sub3A_366, %broadcast_in_dim3A_175 : vector<16xf32>
        %mul3A_368 = arith.mulf %mul3A_367, %get3A_214 : vector<16xf32>
        %add3A_369 = arith.addf %mul3A_368, %get3A_218 : vector<16xf32>
        %swap3A_370 = arith.constant 12 : i32
        %swap3A_371 = arith.index_cast %swap3A_370 : i32 to index
        %swap3A_372 = arith.index_cast %mul3A_211 : i32 to index
        %swap3A_373 = tpu.vector_load %arg15[%swap3A_371, %swap3A_372] {strides = array<i32>} : memref<16x512xf32, #tpu.memory_space<vmem>>, vector<16xf32>,
        tpu.vector_store %arg15[%swap3A_371, %swap3A_372], %add3A_369 {strides = array<i32>} : memref<16x512xf32, #tpu.memory_space<vmem>>, vector<16xf32>,
        %get3A_374 = arith.constant 13 : i32
        %get3A_375 = arith.index_cast %get3A_374 : i32 to index
        %get3A_376 = arith.index_cast %mul3A_211 : i32 to index
        %get3A_377 = tpu.vector_load %arg15[%get3A_375, %get3A_376] {strides = array<i32>} : memref<16x512xf32, #tpu.memory_space<vmem>>, vector<16xf32>,
        %sub3A_378 = arith.subf %get3A_377, %broadcast_in_dim3A_130 : vector<16xf32>
        %mul3A_379 = arith.mulf %sub3A_378, %broadcast_in_dim3A_178 : vector<16xf32>
        %mul3A_380 = arith.mulf %mul3A_379, %get3A_214 : vector<16xf32>
        %add3A_381 = arith.addf %mul3A_380, %get3A_218 : vector<16xf32>
        %swap3A_382 = arith.constant 13 : i32
        %swap3A_383 = arith.index_cast %swap3A_382 : i32 to index
        %swap3A_384 = arith.index_cast %mul3A_211 : i32 to index
        %swap3A_385 = tpu.vector_load %arg15[%swap3A_383, %swap3A_384] {strides = array<i32>} : memref<16x512xf32, #tpu.memory_space<vmem>>, vector<16xf32>,
        tpu.vector_store %arg15[%swap3A_383, %swap3A_384], %add3A_381 {strides = array<i32>} : memref<16x512xf32, #tpu.memory_space<vmem>>, vector<16xf32>,
        %get3A_386 = arith.constant 14 : i32
        %get3A_387 = arith.index_cast %get3A_386 : i32 to index
        %get3A_388 = arith.index_cast %mul3A_211 : i32 to index
        %get3A_389 = tpu.vector_load %arg15[%get3A_387, %get3A_388] {strides = array<i32>} : memref<16x512xf32, #tpu.memory_space<vmem>>, vector<16xf32>,
        %sub3A_390 = arith.subf %get3A_389, %broadcast_in_dim3A_133 : vector<16xf32>
        %mul3A_391 = arith.mulf %sub3A_390, %broadcast_in_dim3A_181 : vector<16xf32>
        %mul3A_392 = arith.mulf %mul3A_391, %get3A_214 : vector<16xf32>
        %add3A_393 = arith.addf %mul3A_392, %get3A_218 : vector<16xf32>
        %swap3A_394 = arith.constant 14 : i32
        %swap3A_395 = arith.index_cast %swap3A_394 : i32 to index
        %swap3A_396 = arith.index_cast %mul3A_211 : i32 to index
        %swap3A_397 = tpu.vector_load %arg15[%swap3A_395, %swap3A_396] {strides = array<i32>} : memref<16x512xf32, #tpu.memory_space<vmem>>, vector<16xf32>,
        tpu.vector_store %arg15[%swap3A_395, %swap3A_396], %add3A_393 {strides = array<i32>} : memref<16x512xf32, #tpu.memory_space<vmem>>, vector<16xf32>,
        %get3A_398 = arith.constant 15 : i32
        %get3A_399 = arith.index_cast %get3A_398 : i32 to index
        %get3A_400 = arith.index_cast %mul3A_211 : i32 to index
        %get3A_401 = tpu.vector_load %arg15[%get3A_399, %get3A_400] {strides = array<i32>} : memref<16x512xf32, #tpu.memory_space<vmem>>, vector<16xf32>,
        %sub3A_402 = arith.subf %get3A_401, %broadcast_in_dim3A_136 : vector<16xf32>
        %mul3A_403 = arith.mulf %sub3A_402, %broadcast_in_dim3A_184 : vector<16xf32>
        %mul3A_404 = arith.mulf %mul3A_403, %get3A_214 : vector<16xf32>
        %add3A_405 = arith.addf %mul3A_404, %get3A_218 : vector<16xf32>
        %swap3A_406 = arith.constant 15 : i32
        %swap3A_407 = arith.index_cast %swap3A_406 : i32 to index
        %swap3A_408 = arith.index_cast %mul3A_211 : i32 to index
        %swap3A_409 = tpu.vector_load %arg15[%swap3A_407, %swap3A_408] {strides = array<i32>} : memref<16x512xf32, #tpu.memory_space<vmem>>, vector<16xf32>,
        tpu.vector_store %arg15[%swap3A_407, %swap3A_408], %add3A_405 {strides = array<i32>} : memref<16x512xf32, #tpu.memory_space<vmem>>, vector<16xf32>,
        %scan3A_410 = arith.constant 0 : i32
        scf.yield %scan3A_410 : i32
      }
      %scan3A_205 = arith.constant 32 : i32
      %add3A_206 = arith.addi %mul3A_2, %mul3A_12 : i32
      "tpu.region"() ({
        %run_scoped3A = tpu.sem_alloc : memref<!tpu.dma_semaphore, #tpu.memory_space<semaphore_mem>>
        %dma_start3A_208 = arith.constant 0 : i32
        %dma_start3A_209 = tpu.memref_slice %arg9[%add3A_206, %dma_start3A_208] : memref<8192x2048xf32, #tpu.memory_space<hbm>> -> memref<16x1024xf32, #tpu.memory_space<hbm>>
        %dma_start3A_210 = arith.constant 0 : i32
        %dma_start3A_211 = tpu.memref_slice %arg9[%add3A_206, %dma_start3A_210] : memref<8192x2048xf32, #tpu.memory_space<hbm>> -> memref<16x1024xf32, #tpu.memory_space<hbm>>
        tpu.enqueue_dma source(%arg13 : memref<16x1024xf32, #tpu.memory_space<vmem>>) target(%dma_start3A_211 : memref<16x1024xf32, #tpu.memory_space<hbm>>) target_semaphore(%run_scoped3A : memref<!tpu.dma_semaphore, #tpu.memory_space<semaphore_mem>>)
        %dma_wait3A_212 = arith.constant 0 : i32
        %dma_wait3A_213 = tpu.memref_slice %arg9[%add3A_206, %dma_wait3A_212] : memref<8192x2048xf32, #tpu.memory_space<hbm>> -> memref<16x1024xf32, #tpu.memory_space<hbm>>
        %dma_wait3A_214 = arith.constant 0 : i32
        %dma_wait3A_215 = tpu.memref_slice %arg9[%add3A_206, %dma_wait3A_214] : memref<8192x2048xf32, #tpu.memory_space<hbm>> -> memref<16x1024xf32, #tpu.memory_space<hbm>>
        tpu.wait_dma2 semaphore(%run_scoped3A : memref<!tpu.dma_semaphore, #tpu.memory_space<semaphore_mem>>) src(%arg13 : memref<16x1024xf32, #tpu.memory_space<vmem>>) dst(%dma_wait3A_215 : memref<16x1024xf32, #tpu.memory_space<hbm>>)
        tpu.yield
      }) : () -> ()
      "tpu.region"() ({
        %run_scoped3A = tpu.sem_alloc : memref<!tpu.dma_semaphore, #tpu.memory_space<semaphore_mem>>
        %dma_start3A_208 = arith.constant 1024 : i32
        %dma_start3A_209 = tpu.memref_slice %arg9[%add3A_206, %dma_start3A_208] : memref<8192x2048xf32, #tpu.memory_space<hbm>> -> memref<16x512xf32, #tpu.memory_space<hbm>>
        %dma_start3A_210 = arith.constant 1024 : i32
        %dma_start3A_211 = tpu.memref_slice %arg9[%add3A_206, %dma_start3A_210] : memref<8192x2048xf32, #tpu.memory_space<hbm>> -> memref<16x512xf32, #tpu.memory_space<hbm>>
        tpu.enqueue_dma source(%arg14 : memref<16x512xf32, #tpu.memory_space<vmem>>) target(%dma_start3A_211 : memref<16x512xf32, #tpu.memory_space<hbm>>) target_semaphore(%run_scoped3A : memref<!tpu.dma_semaphore, #tpu.memory_space<semaphore_mem>>)
        %dma_wait3A_212 = arith.constant 1024 : i32
        %dma_wait3A_213 = tpu.memref_slice %arg9[%add3A_206, %dma_wait3A_212] : memref<8192x2048xf32, #tpu.memory_space<hbm>> -> memref<16x512xf32, #tpu.memory_space<hbm>>
        %dma_wait3A_214 = arith.constant 1024 : i32
        %dma_wait3A_215 = tpu.memref_slice %arg9[%add3A_206, %dma_wait3A_214] : memref<8192x2048xf32, #tpu.memory_space<hbm>> -> memref<16x512xf32, #tpu.memory_space<hbm>>
        tpu.wait_dma2 semaphore(%run_scoped3A : memref<!tpu.dma_semaphore, #tpu.memory_space<semaphore_mem>>) src(%arg14 : memref<16x512xf32, #tpu.memory_space<vmem>>) dst(%dma_wait3A_215 : memref<16x512xf32, #tpu.memory_space<hbm>>)
        tpu.yield
      }) : () -> ()
      "tpu.region"() ({
        %run_scoped3A = tpu.sem_alloc : memref<!tpu.dma_semaphore, #tpu.memory_space<semaphore_mem>>
        %dma_start3A_208 = arith.constant 1536 : i32
        %dma_start3A_209 = tpu.memref_slice %arg9[%add3A_206, %dma_start3A_208] : memref<8192x2048xf32, #tpu.memory_space<hbm>> -> memref<16x512xf32, #tpu.memory_space<hbm>>
        %dma_start3A_210 = arith.constant 1536 : i32
        %dma_start3A_211 = tpu.memref_slice %arg9[%add3A_206, %dma_start3A_210] : memref<8192x2048xf32, #tpu.memory_space<hbm>> -> memref<16x512xf32, #tpu.memory_space<hbm>>
        tpu.enqueue_dma source(%arg15 : memref<16x512xf32, #tpu.memory_space<vmem>>) target(%dma_start3A_211 : memref<16x512xf32, #tpu.memory_space<hbm>>) target_semaphore(%run_scoped3A : memref<!tpu.dma_semaphore, #tpu.memory_space<semaphore_mem>>)
        %dma_wait3A_212 = arith.constant 1536 : i32
        %dma_wait3A_213 = tpu.memref_slice %arg9[%add3A_206, %dma_wait3A_212] : memref<8192x2048xf32, #tpu.memory_space<hbm>> -> memref<16x512xf32, #tpu.memory_space<hbm>>
        %dma_wait3A_214 = arith.constant 1536 : i32
        %dma_wait3A_215 = tpu.memref_slice %arg9[%add3A_206, %dma_wait3A_214] : memref<8192x2048xf32, #tpu.memory_space<hbm>> -> memref<16x512xf32, #tpu.memory_space<hbm>>
        tpu.wait_dma2 semaphore(%run_scoped3A : memref<!tpu.dma_semaphore, #tpu.memory_space<semaphore_mem>>) src(%arg15 : memref<16x512xf32, #tpu.memory_space<vmem>>) dst(%dma_wait3A_215 : memref<16x512xf32, #tpu.memory_space<hbm>>)
        tpu.yield
      }) : () -> ()
      %scan3A_207 = arith.constant 0 : i32
      scf.yield %scan3A_207 : i32
    }
    %scan3A_8 = arith.constant 16 : i32
    return
  }
}

</mosaic_0001>

<sc_bundles>
// kernel: kernel.3.cloned.1.call-start
scs
__scs_entry_jumppad:
0x0: {  	(pc) =	sbr.rel $0x88, $3  }
0x1: {  	(tag) =	ssettag $0x0;
	lr =	simm.s32 $0x1  }
0x2: {  	[smem:$0x3F9A] =	sst lr;
	_ =	strace $0xD0000000  }
0x3: {  	_ = 	snop  }
0x4: {  	_ = 	snop  }
0x5: {  	_ = 	snop  }
0x6: {  	_ = 	snop  }
0x7: {  	_ = 	snop  }
__scs_overlays_trampoline_lowered:
0x8: {  	[smem:$0x3FA9] =	sst s0  }
0x9: {  	[smem:$0x3FAA] =	sst s1  }
0xa: {  	[smem:$0x3FAB] =	sst s2  }
0xb: {  	[smem:$0x3FAC] =	sst s3  }
0xc: {  	[smem:$0x3FAD] =	sst s4  }
0xd: {  	[smem:$0x3FAE] =	sst s5  }
0xe: {  	[smem:$0x3FAF] =	sst s6  }
0xf: {  	[smem:$0x3FB0] =	sst s7  }
0x10: {  	[smem:$0x3FB1] =	sst s8  }
0x11: {  	[smem:$0x3FB2] =	sst s9;
	s0 =	simm.s32 @!p0 $0x0  }
0x12: {  	s1 =	sld [smem:$0x3F98];
	s0 =	simm.s32 @p0 $0x1  }
0x13: {  	[smem:$0x3FB3] =	sst s0;
	s0 =	simm.s32 @!p1 $0x0  }
0x14: {  	s2 =	sld [smem:$0x3F97];
	s0 =	simm.s32 @p1 $0x1  }
0x15: {  	[smem:$0x3FB4] =	sst s0;
	s0 =	simm.s32 @!p2 $0x0  }
0x16: {  	s3 =	sld [smem:$0x3FDB];
	s0 =	simm.s32 @p2 $0x1  }
0x17: {  	s4 =	simm.s32 $0x1BF5;
	[smem:$0x3FB6] =	sst s0  }
0x18: {  	s0 =	sld [smem:$0x3F99];
	_ =	swait.ge [sflag:s4], $0x0  }
0x19: {  	s7 =	sld [smem:$0x3F9A]  }
0x1a: {  	s8 =	sadd.s32 $0xFFFFE003, lr  }
0x1b: {  	s9 =	sadd.s32 $0xFFFFFEF7, lr;
	s5 =	simm.s32 $0xFFFFFFFF;
	p2 =	slt.u32 s8, $0xFFFFF086  }
0x1c: {  	p1 =	slt.u32 s9, $0xF7A;
	s5 =	simm.s32 @!p2 $0x0  }
0x1d: {  	s5 =	simm.s32 @p1 $0x1;
	p0 =	seq.s32 s7, s2  }
0x1e: {  	s7 =	smul.u32 @!p0 $0xF7A, s2;
	p2 =	seq.s32 @!p0 s5, $0x0  }
0x1f: {  	s9 =	smul.u32 $0xF7A, s1;
	s8 =	simm.s32 @!p0 $0x1BF5;
	p2 =	por !p2, p0  }
0x20: {  	[sflag:s8] =	ssyncset.s32 @!p0 $0xFFFFF086;
	s6 =	sadd.s32 @!p0 s3, s7;
	s7 =	simm.s32 @!p0 $0x108  }
0x21: {  	s3 =	sadd.s32 s3, s9;
	s6 =	sadd.s32 @!p0 $0x88, s6;
	s7 =	simm.s32 @p2 $0x1082  }
0x22: {  	[simem:s7], [sflag:s8] =	dma.local @!p0 [hbm:s6], $0xF7A  }
0x23: {  	s9 =	sor.u32 $0xD0000000, s2;
	s6 =	simm.s32 $0x108;
	_ =	swait.ge @!p0 [sflag:s8], $0x0  }
0x24: {  	s3 =	sadd.s32 $0x88, s3;
	s6 =	simm.s32 @!p1 $0x1082;
	[sflag:s4] =	ssyncset.s32 $0xFFFFF086  }
0x25: {  	[simem:s6], [sflag:s4] =	dma.local [hbm:s3], $0xF7A  }
0x26: {  	[smem:$0x3F9A] =	sst s1;
	(tag) =	ssettag s2;
	_ =	strace s9  }
0x27: {  	s1 =	sld [smem:$0x3FAA]  }
0x28: {  	s2 =	sld [smem:$0x3FAB]  }
0x29: {  	s4 =	sld [smem:$0x3FAD]  }
0x2a: {  	p0 =	seq.s32 s5, $0x0;
	s5 =	sld [smem:$0x3FAE]  }
0x2b: {  	s6 =	sld [smem:$0x3FAF]  }
0x2c: {  	s7 =	sld [smem:$0x3FB0]  }
0x2d: {  	s3 =	simm.s32 $0x108;
	s8 =	sld [smem:$0x3FB1]  }
0x2e: {  	s3 =	simm.s32 @!p0 $0x1082;
	s9 =	sld [smem:$0x3FB2]  }
0x2f: {  	lr =	sadd.s32 s0, s3;
	s0 =	sld [smem:$0x3FA9]  }
0x30: {  	s3 =	sld [smem:$0x3FAC]  }
0x31: {  	[smem:$0x3FB5] =	sst s10  }
0x32: {  	s10 =	sld [smem:$0x3FB3];
	_ =	sdelay $0x3  }
0x33: {  	p0 =	seq.s32 s10, $0x1;
	s10 =	sld [smem:$0x3FB5];
	_ =	sdelay $0x3  }
0x34: {  	[smem:$0x3FB5] =	sst s10  }
0x35: {  	s10 =	sld [smem:$0x3FB4];
	_ =	sdelay $0x3  }
0x36: {  	p1 =	seq.s32 s10, $0x1;
	s10 =	sld [smem:$0x3FB5];
	_ =	sdelay $0x3  }
0x37: {  	[smem:$0x3FB5] =	sst s10  }
0x38: {  	s10 =	sld [smem:$0x3FB6]  }
0x39: {  	_ = 	snop;
	(pc) =	sbr.ind lr, $3  }
0x3a: {  	_ = 	snop  }
0x3b: {  	_ = 	snop  }
0x3c: {  	p2 =	seq.s32 s10, $0x1;
	s10 =	sld [smem:$0x3FB5]  }
0x3d: {  	_ =	shalt  }
0x3e: {  	_ =	shalt  }
0x3f: {  	_ =	shalt  }
0x40: {  	_ =	shalt  }
0x41: {  	_ =	shalt  }
0x42: {  	_ =	shalt  }
0x43: {  	_ =	shalt  }
0x44: {  	_ =	shalt  }
0x45: {  	_ =	shalt  }
0x46: {  	_ =	shalt  }
0x47: {  	_ =	shalt  }
0x48: {  	_ =	shalt  }
0x49: {  	_ =	shalt  }
0x4a: {  	_ =	shalt  }
0x4b: {  	_ =	shalt  }
0x4c: {  	_ =	shalt  }
0x4d: {  	_ =	shalt  }
0x4e: {  	_ =	shalt  }
0x4f: {  	_ =	shalt  }
0x50: {  	_ =	shalt  }
0x51: {  	_ =	shalt  }
0x52: {  	_ =	shalt  }
0x53: {  	_ =	shalt  }
0x54: {  	_ =	shalt  }
0x55: {  	_ =	shalt  }
0x56: {  	_ =	shalt  }
0x57: {  	_ =	shalt  }
0x58: {  	_ =	shalt  }
0x59: {  	_ =	shalt  }
0x5a: {  	_ =	shalt  }
0x5b: {  	_ =	shalt  }
0x5c: {  	_ =	shalt  }
0x5d: {  	_ =	shalt  }
0x5e: {  	_ =	shalt  }
0x5f: {  	_ =	shalt  }
0x60: {  	_ =	shalt  }
0x61: {  	_ =	shalt  }
0x62: {  	_ =	shalt  }
0x63: {  	_ =	shalt  }
0x64: {  	_ =	shalt  }
0x65: {  	_ =	shalt  }
0x66: {  	_ =	shalt  }
0x67: {  	_ =	shalt  }
0x68: {  	_ =	shalt  }
0x69: {  	_ =	shalt  }
0x6a: {  	_ =	shalt  }
0x6b: {  	_ =	shalt  }
0x6c: {  	_ =	shalt  }
0x6d: {  	_ =	shalt  }
0x6e: {  	_ =	shalt  }
0x6f: {  	_ =	shalt  }
0x70: {  	_ =	shalt  }
0x71: {  	_ =	shalt  }
0x72: {  	_ =	shalt  }
0x73: {  	_ =	shalt  }
0x74: {  	_ =	shalt  }
0x75: {  	_ =	shalt  }
0x76: {  	_ =	shalt  }
0x77: {  	_ =	shalt  }
0x78: {  	_ =	shalt  }
0x79: {  	_ =	shalt  }
0x7a: {  	_ =	shalt  }
0x7b: {  	_ =	shalt  }
0x7c: {  	_ =	shalt  }
0x7d: {  	_ =	shalt  }
0x7e: {  	_ =	shalt  }
0x7f: {  	_ =	shalt  }
0x80: {  	_ =	shalt  }
0x81: {  	_ =	shalt  }
0x82: {  	_ =	shalt  }
0x83: {  	_ =	shalt  }
0x84: {  	_ =	shalt  }
0x85: {  	_ =	shalt  }
0x86: {  	_ =	shalt  }
0x87: {  	_ =	shalt  }
.Lfunc_end0:
.L_simem_size_0:
called_computation.1_lowered:
.L_overlay_start_0:
0x88: {  	s2 =	sld [smem:$0x3FD9]  }
0x89: {  	s3 =	sld [smem:$0x3FFE];
	_ =	sdelay $0x1  }
0x8a: {  	s1 =	srdreg.scid  }
0x8b: {  	s0 =	sand.u32 $0x1, s1  }
0x8c: {  	s17 =	sshll.u32 s0, $0xA;
	s2 =	sadd.s32 s3, s2  }
0x8d: {  	s2 =	sadd.s32 s2, s17  }
0x8e: {  	[smem:$0x3FC1] =	sst s2  }
0x8f: {  	_ = 	snop  }
0x90: {  	s2 =	sld [smem:$0x3FC4]  }
0x91: {  	s18 =	sld [smem:$0x3FC3]  }
0x92: {  	s4 =	sld [smem:$0x3FD0];
	(tm) =	ssettm $0x1  }
0x93: {  	s5 =	sld [smem:$0x3FFB];
	_ =	sdelay $0x3  }
0x94: {  	_ =	strace s5  }
0x95: {  	s5 =	sld [smem:$0x3FFC];
	_ =	sdelay $0x3  }
0x96: {  	_ =	strace s5  }
0x97: {  	s5 =	sld [smem:$0x3FFD];
	_ =	sdelay $0x3  }
0x98: {  	_ =	strace s5  }
0x99: {  	_ =	strace $0x8FFFFFFF  }
0x9a: {  	s19 =	sld [smem:$0x3FDB];
	_ =	sdelay $0x1  }
0x9b: {  	s6 =	simm.s32 $_scs_section_size  }
0x9c: {  	s7 =	simm.s32 $_size__tile_overlayer_lowered;
	s8 =	simm.s32 $_tile_overlayer_lowered  }
0x9d: {  	s22 =	simm.s32 $0x1BFF;
	s21 =	sshll.u32 s8, $0x1;
	s5 =	sadd.s32 s6, s19  }
0x9e: {  	s9 =	simm.s32 $0x0;
	s20 =	sshll.u32 s7, $0x1;
	s7 =	sadd.s32 s21, s5  }
0x9f: {  	[timem:s9], [sflag:s22] =	dma.local [hbm:s7], s20  }
0xa0: {  	_ =	swait.ge [sflag:s22], s20  }
0xa1: {  	s6 =	ssub.s32 $0x0, s20;
	[sflag:s22] =	ssyncset.done $0x0  }
0xa2: {  	[sflag:s22] =	ssyncadd.s32 s6;
	_ =	sdelay $0x1  }
0xa3: {  	s23 =	simm.s32 $0x1B8B  }
0xa4: {  	_ =	swait.ge [sflag:s23], $0x1  }
0xa5: {  	[sflag:s23] =	ssyncset.done $0x0  }
0xa6: {  	s25 =	simm.s32 $0x1B8E;
	s24 =	sld [smem:$0x3FFE];
	[sflag:s23] =	ssyncadd.s32 $0xFFFFFFFF  }
0xa7: {  	s26 =	simm.s32 $execute0_lowered;
	[smem:$0x3FD2] =	sst s25  }
0xa8: {  	s7 =	sshll.u32 s26, $0x1;
	_ =	strace $0x80000049;
	[dreg:$0x1] =	wrdreg $0xFFFFFFFF  }
0xa9: {  	s28 =	simm.s32 $_size_execute0_lowered;
	s5 =	sadd.s32 s5, s7;
	[dreg:$0x0] =	wrdreg $0x0  }
0xaa: {  	s7 =	sshll.u32 s28, $0x1;
	[dreg:$0x2] =	wrdreg s5  }
0xab: {  	[dreg:$0x3] =	wrdreg s7  }
0xac: {  	[dreg:$0x4] =	wrdreg $0xC0  }
0xad: {  	_ =	task [dreg:s9], $0x5FFFF  }
0xae: {  	[dreg:$0x1] =	wrdreg $0xFFFFFFFF  }
0xaf: {  	[dreg:$0x0] =	wrdreg $0x60  }
0xb0: {  	[dreg:$0x2] =	wrdreg s24  }
0xb1: {  	[dreg:$0x3] =	wrdreg s4  }
0xb2: {  	[dreg:$0x4] =	wrdreg s2  }
0xb3: {  	[dreg:$0x5] =	wrdreg s18  }
0xb4: {  	[dreg:$0x6] =	wrdreg $0x9  }
0xb5: {  	_ =	task.clear_ibuf [dreg:s9], $0x7FFFF;
	_ =	strace $0x90000049  }
0xb6: {  	s29 =	simm.s32 $0x9;
	_ =	strace $0x8000004B  }
0xb7: {  	_ =	swait.ge [sflag:s29], $0x1  }
0xb8: {  	[sflag:s29] =	ssyncadd.s32 $0xFFFFFFFF  }
0xb9: {  	_ =	strace $0x9000004B  }
0xba: {  	_ =	sfence  }
0xbb: {  	s30 =	sld [smem:$0x0];
	_ =	sdelay $0x2  }
0xbc: {  	s31 =	sshll.u32 s1, $0xD;
	s1 =	sshrl.u32 s1, $0x2  }
0xbd: {  	s3 =	sand.u32 $0x4000, s31;
	s1 =	sadd.s32 s1, s30  }
0xbe: {  	s0 =	sor.u32 s3, s0;
	s1 =	sshll.u32 s1, $0x11  }
0xbf: {  	s0 =	sor.u32 s1, s0  }
0xc0: {  	s0 =	sadd.s32 $0x8F2B, s0  }
0xc1: {  	[sflag:s0] =	ssyncadd.remote.s32 $0x1  }
0xc2: {  	_ =	sfence.sel $0xFFFF  }
0xc3: {  	[dreg:$0x0] =	wrdreg $0xFFFFFFFF;
	(pc) =	sbr.abs _section_cstart, $3  }
0xc4: {  	[dreg:$0x1] =	wrdreg $0xFFFFFFFF  }
0xc5: {  	_ =	task.clear_ibuf [dreg:s9], $0x2FFFF;
	_ =	strace $0x9FFFFFFF  }
0xc6: {  	(tm) =	ssettm $0x7FFFFFFF  }
0xc7: {  	_ =	shalt  }
tec
execute0_lowered:
.L_overlay_start_1:
0x0: {  	(tag) =	ssettag $0x1  }
0x1: {  	s0 =	rddreg [dreg:$0x0]  }
0x2: {  	s1 =	rddreg [dreg:$0x1]  }
0x3: {  	s2 =	srdreg.scid;
	s3 =	stileid.u32;
	s5 =	simm.s32 $0x0  }
0x4: {  	s16 =	simm.s32 $0x4;
	s17 =	simm.s32 $0x8B00;
	s18 =	simm.s32 $0x100  }
0x5: {  	s19 =	simm.s32 $0x200;
	s20 =	simm.s32 $0x10;
	s21 =	simm.s32 $0x300  }
0x6: {  	s22 =	simm.s32 $0x4300;
	s23 =	simm.s32 $0x6300;
	s24 =	simm.s32 $0x1  }
0x7: {  	v3 =	vlaneseq.u32;
	s25 =	simm.s32 $0x2;
	s26 =	simm.s32 $0x3;
	s28 =	simm.s32 $0x400  }
0x8: {  	s29 =	simm.s32 $0x800;
	s30 =	simm.s32 $0x0;
	s2 =	sand.u32 $0x1, s2;
	v0 =	vmul.u32 $0x400, v3  }
0x9: {  	s3 =	sshll.u32 s3, $0x9;
	[smem:$0x7FF] =	sst s5;
	s4 =	sshll.u32 s2, $0x8  }
0xa: {  	s7 =	sadd.s32 $0x1000, s0;
	s8 =	sadd.s32 $0xC36C00, s0;
	v3 =	vmul.u32 $0x200, v3;
	s6 =	sor.u32 s4, s3;
	v1 =	vor.u32 $0x1, v0;
	v2 =	vor.u32 $0x2, v0  }
0xb: {  	s12 =	sadd.s32 $0xC36C80, s0;
	s2 =	ssub.s32 $0x2, s2;
	v4 =	vor.u32 $0x3, v0;
	v5 =	vor.u32 $0x4, v0;
	v6 =	vor.u32 $0x5, v0;
	s3 =	sshrl.u32 s6, $0x3  }
0xc: {  	_ =	strace $0x8000004A;
	s31 =	sshrl.u32 s2, $0x1;
	v7 =	vor.u32 $0x6, v0;
	v8 =	vor.u32 $0x7, v0;
	v9 =	vor.u32 $0x1, v3;
	[tilespmem:$0x1FFD0] =	vst v0;
	s3 =	sadd.s32 s3, s0  }
0xd: {  	s13 =	sadd.s32 $0xC36CC0, s0;
	v10 =	vor.u32 $0x2, v3;
	v11 =	vor.u32 $0x3, v3;
	v12 =	vor.u32 $0x4, v3;
	s2 =	ssub.s32 s2, s31;
	[tilespmem:$0x1FFE0] =	vst v1;
	s9 =	sadd.s32 $0xC36000, s3  }
0xe: {  	v13 =	vor.u32 $0x5, v3;
	v14 =	vor.u32 $0x6, v3;
	v15 =	vor.u32 $0x7, v3;
	[tilespmem:$0x1FFF0] =	vst v2;
	s14 =	smax.u32 s2, $0x1;
	s10 =	sadd.s32 $0xC36400, s3;
	s11 =	sadd.s32 $0xC36800, s3  }
.LBB2_1:
0xf: {  	s0 =	rddreg [dreg:$0x2];
	s2 =	simm.s32 $0x8300  }
0x10: {  	[tilespmem:s2], [sflag:$0x4] =	stream.linear.gather [hbm4b:s0+s5], $0x800, $0x38;
	[tilespmem:$0x9300] =	vst v63  }
0x11: {  	_ =	swait.ge [sflag:s16], $0x800  }
0x12: {  	[sflag:s16] =	ssyncset.done $0x0  }
0x13: {  	[sflag:s16] =	ssyncadd.s32 $0xFFFFF800  }
0x14: {  	s15 =	rddreg [dreg:$0x3]  }
0x15: {  	[tilespmem:s17], [sflag:$0x4] =	stream.linear.gather [hbm4b:s15+s5], $0x800, $0x38;
	[tilespmem:$0x9300] =	vst v63  }
0x16: {  	_ =	swait.ge [sflag:s16], $0x800  }
0x17: {  	[sflag:s16] =	ssyncset.done $0x0  }
0x18: {  	[sflag:s16] =	ssyncadd.s32 $0xFFFFF800  }
0x19: {  	[tilespmem:s5], [sflag:$0x4] =	stream.linear.gather [hbm4b:s9+s5], $0x100, $0x38;
	[tilespmem:$0x9300] =	vst v63  }
0x1a: {  	_ =	swait.ge [sflag:s16], $0x100  }
0x1b: {  	[sflag:s16] =	ssyncset.done $0x0  }
0x1c: {  	[sflag:s16] =	ssyncadd.s32 $0xFFFFFF00  }
0x1d: {  	[tilespmem:s18], [sflag:$0x4] =	stream.linear.gather [hbm4b:s10+s5], $0x100, $0x38;
	[tilespmem:$0x9300] =	vst v63  }
0x1e: {  	_ =	swait.ge [sflag:s16], $0x100  }
0x1f: {  	[sflag:s16] =	ssyncset.done $0x0  }
0x20: {  	[sflag:s16] =	ssyncadd.s32 $0xFFFFFF00  }
0x21: {  	[tilespmem:s19], [sflag:$0x4] =	stream.linear.gather [hbm4b:s11+s5], $0x100, $0x38;
	[tilespmem:$0x9300] =	vst v63  }
0x22: {  	_ =	swait.ge [sflag:s16], $0x100  }
0x23: {  	[sflag:s16] =	ssyncset.done $0x0  }
0x24: {  	s31 =	simm.s32 $0x0;
	[sflag:s16] =	ssyncadd.s32 $0xFFFFFF00  }
.LBB2_2:
0x25: {  	s0 =	sshll.u32 s31, $0x4  }
0x26: {  	[tilespmem:s21], [sflag:$0x1] =	stream.indirect.gather [hbm4b:s7+s20], $0x400, s0, s20, $0xb8;
	[tilespmem:$0x9300] =	vst v63  }
0x27: {  	s2 =	sadd.s32 $0x100, s0  }
0x28: {  	[tilespmem:s22], [sflag:$0x2] =	stream.indirect.gather [hbm4b:s1+s20], $0x200, s2, s20, $0xb8;
	[tilespmem:$0x9300] =	vst v63  }
0x29: {  	s3 =	simm.s32 $0x0;
	s4 =	sadd.s32 $0x200, s0  }
0x2a: {  	v16 =	vmov s3;
	[tilespmem:s23], [sflag:$0x3] =	stream.indirect.gather [hbm4b:s1+s20], $0x200, s4, s20, $0xb8;
	[tilespmem:$0x9300] =	vst v63  }
0x2b: {  	v16 =	vshrl.u32 v16, $0x3;
	_ =	swait.ge [sflag:s24], $0x4000  }
0x2c: {  	v17 =	vshll.u32 v16, $0x3;
	[sflag:s24] =	ssyncset.done $0x0  }
0x2d: {  	v18 =	vbroadcast v17, $0x0;
	[sflag:s24] =	ssyncadd.s32 $0xFFFFC000  }
0x2e: {  	_ =	swait.ge [sflag:s25], $0x2000  }
0x2f: {  	v16 =	vor.u32 v0, v18;
	[sflag:s25] =	ssyncset.done $0x0  }
0x30: {  	[sflag:s25] =	ssyncadd.s32 $0xFFFFE000  }
0x31: {  	v19 =	vadd.s32 v1, v18;
	_ =	swait.ge [sflag:s26], $0x2000  }
0x32: {  	[sflag:s26] =	ssyncset.done $0x0  }
0x33: {  	v20 =	vadd.s32 v2, v18;
	[sflag:s26] =	ssyncadd.s32 $0xFFFFE000  }
0x34: {  	v21 =	vadd.s32 v4, v18;
	v22 =	vld.idx.msk [tilespmem:v16+s21+$0x0], $0xffff;
	_ =	sdelay $0x1  }
0x35: {  	v24 =	vadd.s32 v5, v18;
	v19 =	vld.idx.msk [tilespmem:v19+s21+$0x0], $0xffff  }
0x36: {  	s15 =	simm.s32 $0x8  }
0x37: {  	v25 =	vimm.f32 $0.0e+00;
	v23 =	vadd.s32 v6, v18;
	v16 =	vmov s15;
	v20 =	vld.idx.msk [tilespmem:v20+s21+$0x0], $0xffff  }
0x38: {  	v28 =	vimm.f32 $0.0e+00;
	s2 =	simm.s32 $0x10;
	v21 =	vld.idx.msk [tilespmem:v21+s21+$0x0], $0xffff;
	v26 =	vshrl.u32 v16, $0x3;
	v27 =	vmul.f32 v22, v22  }
.LBB2_3:
0x39: {  	p0 =	sne.s32 s2, $0x3F8;
	v26 =	vshll.u32 v26, $0x3;
	v29 =	vadd.s32 v7, v18  }
0x3a: {  	v22 =	vadd.f32 v22, v25;
	v25 =	vadd.f32 v27, v28;
	v27 =	vmul.f32 v19, v19;
	v24 =	vld.idx.msk [tilespmem:v24+s21+$0x0], $0xffff  }
0x3b: {  	v28 =	vadd.s32 v8, v18;
	v18 =	vbroadcast v26, $0x0  }
0x3c: {  	v19 =	vadd.f32 v19, v22;
	v22 =	vadd.f32 v27, v25;
	v25 =	vmul.f32 v20, v20;
	v23 =	vld.idx.msk [tilespmem:v23+s21+$0x0], $0xffff  }
0x3d: {  	v26 =	vor.u32 v0, v18  }
0x3e: {  	v19 =	vadd.f32 v20, v19;
	v20 =	vadd.f32 v25, v22;
	v22 =	vmul.f32 v21, v21;
	v25 =	vld.idx.msk [tilespmem:v29+s21+$0x0], $0xffff  }
0x3f: {  	v27 =	vadd.s32 v1, v18  }
0x40: {  	v19 =	vadd.f32 v21, v19;
	v20 =	vadd.f32 v22, v20;
	v21 =	vmul.f32 v24, v24;
	v28 =	vld.idx.msk [tilespmem:v28+s21+$0x0], $0xffff  }
0x41: {  	v29 =	vadd.s32 v2, v18  }
0x42: {  	v22 =	vld.idx.msk [tilespmem:v26+s21+$0x0], $0xffff;
	v24 =	vadd.f32 v24, v19;
	v20 =	vadd.f32 v21, v20;
	v21 =	vmul.f32 v23, v23  }
0x43: {  	v30 =	vadd.s32 v4, v18  }
.Ltmp0:
0x44: {  	v26 =	vmul.f32 v25, v25;
	v19 =	vld.idx.msk [tilespmem:v27+s21+$0x0], $0xffff;
	v23 =	vadd.f32 v23, v24;
	v21 =	vadd.f32 v21, v20;
	(pc) =	sbr.rel @p0 .LBB2_3-.Ltmp0, $4  }
0x45: {  	v27 =	vmov s2;
	v24 =	vadd.s32 v5, v18  }
0x46: {  	v31 =	vmul.f32 v28, v28;
	v20 =	vld.idx.msk [tilespmem:v29+s21+$0x0], $0xffff;
	v25 =	vadd.f32 v25, v23;
	v29 =	vadd.f32 v26, v21  }
0x47: {  	v26 =	vshrl.u32 v27, $0x3;
	v23 =	vadd.s32 v6, v18  }
0x48: {  	s2 =	sadd.s32 $0x8, s2;
	v27 =	vmul.f32 v22, v22;
	v21 =	vld.idx.msk [tilespmem:v30+s21+$0x0], $0xffff;
	v25 =	vadd.f32 v28, v25;
	v28 =	vadd.f32 v31, v29  }
0x49: {  	_ =	sdelay $0x1  }
0x4a: {  	v26 =	vshll.u32 v26, $0x3;
	v22 =	vadd.f32 v22, v25  }
0x4b: {  	v62 =	vmul.f32 v19, v19;
	v25 =	vadd.s32 v7, v18;
	v27 =	vadd.f32 v27, v28  }
0x4c: {  	v24 =	vld.idx.msk [tilespmem:v24+s21+$0x0], $0xffff;
	v26 =	vbroadcast v26, $0x0;
	v19 =	vadd.f32 v19, v22  }
0x4d: {  	v18 =	vadd.s32 v8, v18;
	v22 =	vadd.f32 v62, v27;
	v27 =	vmul.f32 v20, v20  }
0x4e: {  	v23 =	vld.idx.msk [tilespmem:v23+s21+$0x0], $0xffff;
	v19 =	vadd.f32 v20, v19  }
0x4f: {  	v20 =	vor.u32 v0, v26;
	v22 =	vadd.f32 v27, v22;
	v27 =	vmul.f32 v21, v21  }
0x50: {  	v25 =	vld.idx.msk [tilespmem:v25+s21+$0x0], $0xffff;
	v19 =	vadd.f32 v21, v19  }
0x51: {  	v21 =	vadd.s32 v1, v26;
	v22 =	vadd.f32 v27, v22;
	v27 =	vmul.f32 v24, v24  }
0x52: {  	v18 =	vld.idx.msk [tilespmem:v18+s21+$0x0], $0xffff;
	v19 =	vadd.f32 v24, v19  }
0x53: {  	v24 =	vadd.s32 v2, v26;
	v22 =	vadd.f32 v27, v22;
	v27 =	vmul.f32 v23, v23  }
0x54: {  	v20 =	vld.idx.msk [tilespmem:v20+s21+$0x0], $0xffff;
	v19 =	vadd.f32 v23, v19  }
0x55: {  	v23 =	vadd.s32 v4, v26;
	v22 =	vadd.f32 v27, v22;
	v27 =	vmul.f32 v25, v25  }
0x56: {  	v21 =	vld.idx.msk [tilespmem:v21+s21+$0x0], $0xffff;
	v19 =	vadd.f32 v25, v19  }
0x57: {  	v25 =	vadd.s32 v5, v26;
	v22 =	vadd.f32 v27, v22;
	v27 =	vmul.f32 v18, v18  }
0x58: {  	v24 =	vld.idx.msk [tilespmem:v24+s21+$0x0], $0xffff;
	v18 =	vadd.f32 v18, v19  }
0x59: {  	v19 =	vadd.s32 v6, v26;
	v63 =	vmul.f32 v20, v20;
	v22 =	vadd.f32 v27, v22  }
0x5a: {  	v23 =	vld.idx.msk [tilespmem:v23+s21+$0x0], $0xffff;
	v18 =	vadd.f32 v20, v18  }
0x5b: {  	v20 =	vadd.s32 v7, v26;
	v22 =	vadd.f32 v63, v22;
	v27 =	vmul.f32 v21, v21  }
0x5c: {  	v25 =	vld.idx.msk [tilespmem:v25+s21+$0x0], $0xffff;
	v18 =	vadd.f32 v21, v18  }
0x5d: {  	v21 =	vadd.s32 v8, v26;
	v22 =	vadd.f32 v27, v22;
	v26 =	vmul.f32 v24, v24  }
0x5e: {  	v19 =	vld.idx.msk [tilespmem:v19+s21+$0x0], $0xffff  }
0x5f: {  	v18 =	vadd.f32 v24, v18;
	v22 =	vadd.f32 v26, v22;
	v24 =	vmul.f32 v23, v23  }
0x60: {  	v17 =	vbroadcast v17, $0x0;
	v26 =	vld.idx.msk [tilespmem:v20+s21+$0x0], $0xffff  }
0x61: {  	v18 =	vadd.f32 v23, v18;
	v22 =	vadd.f32 v24, v22;
	v23 =	vmul.f32 v25, v25  }
0x62: {  	v20 =	vor.u32 v3, v17;
	v21 =	vld.idx.msk [tilespmem:v21+s21+$0x0], $0xffff  }
0x63: {  	v22 =	vadd.f32 v23, v22;
	v23 =	vmul.f32 v19, v19  }
0x64: {  	v24 =	vadd.s32 v9, v17;
	v18 =	vadd.f32 v25, v18  }
0x65: {  	v22 =	vadd.f32 v23, v22;
	v23 =	vmul.f32 v26, v26  }
0x66: {  	v18 =	vadd.f32 v19, v18;
	v19 =	vadd.s32 v10, v17  }
0x67: {  	v27 =	vadd.s32 v11, v17;
	v20 =	vld.idx.msk [tilespmem:v20+s22+$0x0], $0xffff;
	v22 =	vadd.f32 v23, v22;
	v23 =	vmul.f32 v21, v21;
	_ =	sdelay $0x1  }
0x68: {  	v25 =	vadd.f32 v26, v18;
	v18 =	vld.idx.msk [tilespmem:v24+s22+$0x0], $0xffff;
	v23 =	vadd.f32 v23, v22;
	v22 =	vadd.s32 v12, v17;
	_ =	sdelay $0x1  }
0x69: {  	v24 =	vadd.f32 v21, v25;
	v21 =	vadd.s32 v13, v17;
	v19 =	vld.idx.msk [tilespmem:v19+s22+$0x0], $0xffff  }
0x6a: {  	s2 =	simm.s32 $0x10;
	v25 =	vshrl.u32 v16, $0x3;
	v16 =	vld.idx.msk [tilespmem:v27+s22+$0x0], $0xffff;
	v26 =	vmul.f32 v20, v20  }
.LBB2_5:
0x6b: {  	p0 =	sne.s32 s2, $0x1F8;
	v25 =	vshll.u32 v25, $0x3;
	v27 =	vadd.s32 v14, v17  }
0x6c: {  	v20 =	vadd.f32 v20, v24;
	v23 =	vadd.f32 v26, v23;
	v24 =	vmul.f32 v18, v18;
	v22 =	vld.idx.msk [tilespmem:v22+s22+$0x0], $0xffff  }
0x6d: {  	v26 =	vadd.s32 v15, v17;
	v17 =	vbroadcast v25, $0x0  }
0x6e: {  	v18 =	vadd.f32 v18, v20;
	v20 =	vadd.f32 v24, v23;
	v23 =	vmul.f32 v19, v19;
	v21 =	vld.idx.msk [tilespmem:v21+s22+$0x0], $0xffff  }
0x6f: {  	v24 =	vor.u32 v3, v17  }
0x70: {  	v18 =	vadd.f32 v19, v18;
	v19 =	vadd.f32 v23, v20;
	v20 =	vmul.f32 v16, v16;
	v23 =	vld.idx.msk [tilespmem:v27+s22+$0x0], $0xffff  }
0x71: {  	v25 =	vadd.s32 v9, v17  }
0x72: {  	v16 =	vadd.f32 v16, v18;
	v18 =	vadd.f32 v20, v19;
	v19 =	vmul.f32 v22, v22;
	v27 =	vld.idx.msk [tilespmem:v26+s22+$0x0], $0xffff  }
0x73: {  	v26 =	vadd.s32 v10, v17  }
0x74: {  	v20 =	vld.idx.msk [tilespmem:v24+s22+$0x0], $0xffff;
	v16 =	vadd.f32 v22, v16;
	v19 =	vadd.f32 v19, v18;
	v22 =	vmul.f32 v21, v21  }
0x75: {  	v24 =	vadd.s32 v11, v17  }
.Ltmp1:
0x76: {  	v18 =	vld.idx.msk [tilespmem:v25+s22+$0x0], $0xffff;
	v16 =	vadd.f32 v21, v16;
	v21 =	vadd.f32 v22, v19;
	v25 =	vmul.f32 v23, v23;
	(pc) =	sbr.rel @p0 .LBB2_5-.Ltmp1, $4  }
0x77: {  	v28 =	vmov s2;
	v22 =	vadd.s32 v12, v17  }
0x78: {  	v30 =	vmul.f32 v27, v27;
	v19 =	vld.idx.msk [tilespmem:v26+s22+$0x0], $0xffff;
	v23 =	vadd.f32 v23, v16;
	v29 =	vadd.f32 v25, v21  }
0x79: {  	v25 =	vshrl.u32 v28, $0x3;
	v21 =	vadd.s32 v13, v17  }
0x7a: {  	s2 =	sadd.s32 $0x8, s2;
	v26 =	vmul.f32 v20, v20;
	v16 =	vld.idx.msk [tilespmem:v24+s22+$0x0], $0xffff;
	v24 =	vadd.f32 v27, v23;
	v23 =	vadd.f32 v30, v29  }
0x7b: {  	_ =	sdelay $0x1  }
0x7c: {  	v25 =	vshll.u32 v25, $0x3;
	v20 =	vadd.f32 v20, v24  }
0x7d: {  	v24 =	vadd.s32 v14, v17;
	v23 =	vadd.f32 v26, v23;
	v26 =	vmul.f32 v18, v18  }
0x7e: {  	v22 =	vld.idx.msk [tilespmem:v22+s22+$0x0], $0xffff;
	v25 =	vbroadcast v25, $0x0;
	v18 =	vadd.f32 v18, v20  }
0x7f: {  	v17 =	vadd.s32 v15, v17;
	v20 =	vadd.f32 v26, v23;
	v23 =	vmul.f32 v19, v19  }
0x80: {  	v21 =	vld.idx.msk [tilespmem:v21+s22+$0x0], $0xffff;
	v18 =	vadd.f32 v19, v18  }
0x81: {  	v19 =	vor.u32 v3, v25;
	v20 =	vadd.f32 v23, v20;
	v23 =	vmul.f32 v16, v16  }
0x82: {  	v24 =	vld.idx.msk [tilespmem:v24+s22+$0x0], $0xffff;
	v16 =	vadd.f32 v16, v18  }
0x83: {  	v18 =	vadd.s32 v9, v25;
	v20 =	vadd.f32 v23, v20;
	v23 =	vmul.f32 v22, v22  }
0x84: {  	v17 =	vld.idx.msk [tilespmem:v17+s22+$0x0], $0xffff;
	v16 =	vadd.f32 v22, v16  }
0x85: {  	v22 =	vadd.s32 v10, v25;
	v20 =	vadd.f32 v23, v20;
	v23 =	vmul.f32 v21, v21  }
0x86: {  	v19 =	vld.idx.msk [tilespmem:v19+s22+$0x0], $0xffff;
	v16 =	vadd.f32 v21, v16  }
0x87: {  	v21 =	vadd.s32 v11, v25;
	v20 =	vadd.f32 v23, v20;
	v23 =	vmul.f32 v24, v24  }
0x88: {  	v18 =	vld.idx.msk [tilespmem:v18+s22+$0x0], $0xffff;
	v16 =	vadd.f32 v24, v16  }
0x89: {  	v24 =	vadd.s32 v12, v25;
	v20 =	vadd.f32 v23, v20;
	v23 =	vmul.f32 v17, v17  }
0x8a: {  	v22 =	vld.idx.msk [tilespmem:v22+s22+$0x0], $0xffff;
	v16 =	vadd.f32 v17, v16  }
0x8b: {  	v17 =	vadd.s32 v13, v25;
	v26 =	vmul.f32 v19, v19;
	v20 =	vadd.f32 v23, v20  }
0x8c: {  	s2 =	simm.s32 $0x0;
	v23 =	vadd.s32 v14, v25;
	v21 =	vld.idx.msk [tilespmem:v21+s22+$0x0], $0xffff;
	v16 =	vadd.f32 v19, v16  }
0x8d: {  	v19 =	vadd.f32 v26, v20;
	v20 =	vmul.f32 v18, v18;
	v26 =	vmov s2  }
0x8e: {  	v25 =	vadd.s32 v15, v25;
	v24 =	vld.idx.msk [tilespmem:v24+s22+$0x0], $0xffff;
	v16 =	vadd.f32 v18, v16;
	v18 =	vshrl.u32 v26, $0x3  }
0x8f: {  	v19 =	vadd.f32 v20, v19;
	v20 =	vmul.f32 v22, v22;
	v18 =	vshll.u32 v18, $0x3  }
0x90: {  	v17 =	vld.idx.msk [tilespmem:v17+s22+$0x0], $0xffff;
	v22 =	vadd.f32 v22, v16;
	v16 =	vbroadcast v18, $0x0  }
0x91: {  	v18 =	vadd.f32 v20, v19;
	v19 =	vmul.f32 v21, v21  }
0x92: {  	v20 =	vld.idx.msk [tilespmem:v23+s22+$0x0], $0xffff;
	v21 =	vadd.f32 v21, v22;
	v22 =	vor.u32 v3, v16  }
0x93: {  	v18 =	vadd.f32 v19, v18;
	v19 =	vmul.f32 v24, v24  }
0x94: {  	v23 =	vld.idx.msk [tilespmem:v25+s22+$0x0], $0xffff;
	v21 =	vadd.f32 v24, v21;
	v24 =	vadd.s32 v9, v16  }
0x95: {  	v18 =	vadd.f32 v19, v18;
	v19 =	vmul.f32 v17, v17  }
0x96: {  	v25 =	vadd.s32 v10, v16;
	v21 =	vadd.f32 v17, v21  }
0x97: {  	v27 =	vadd.s32 v11, v16;
	v18 =	vadd.f32 v19, v18;
	v19 =	vmul.f32 v20, v20;
	v17 =	vld.idx.msk [tilespmem:v22+s23+$0x0], $0xffff  }
0x98: {  	v20 =	vadd.f32 v20, v21  }
0x99: {  	v22 =	vadd.s32 v12, v16;
	v18 =	vadd.f32 v19, v18;
	v21 =	vmul.f32 v23, v23;
	v19 =	vld.idx.msk [tilespmem:v24+s23+$0x0], $0xffff  }
0x9a: {  	s15 =	simm.s32 $0x8;
	v23 =	vadd.f32 v23, v20  }
0x9b: {  	v24 =	vadd.f32 v21, v18;
	v20 =	vmov s15;
	v18 =	vld.idx.msk [tilespmem:v25+s23+$0x0], $0xffff;
	v21 =	vadd.s32 v13, v16  }
0x9c: {  	s2 =	simm.s32 $0x10;
	v25 =	vshrl.u32 v20, $0x3;
	v20 =	vld.idx.msk [tilespmem:v27+s23+$0x0], $0xffff;
	v26 =	vmul.f32 v17, v17  }
.LBB2_7:
0x9d: {  	p0 =	sne.s32 s2, $0x1F8;
	v25 =	vshll.u32 v25, $0x3;
	v27 =	vadd.s32 v14, v16  }
0x9e: {  	v17 =	vadd.f32 v17, v23;
	v23 =	vadd.f32 v26, v24;
	v24 =	vmul.f32 v19, v19;
	v22 =	vld.idx.msk [tilespmem:v22+s23+$0x0], $0xffff  }
0x9f: {  	v26 =	vadd.s32 v15, v16;
	v16 =	vbroadcast v25, $0x0  }
0xa0: {  	v17 =	vadd.f32 v19, v17;
	v19 =	vadd.f32 v24, v23;
	v23 =	vmul.f32 v18, v18;
	v21 =	vld.idx.msk [tilespmem:v21+s23+$0x0], $0xffff  }
0xa1: {  	v24 =	vor.u32 v3, v16  }
0xa2: {  	v17 =	vadd.f32 v18, v17;
	v18 =	vadd.f32 v23, v19;
	v19 =	vmul.f32 v20, v20;
	v23 =	vld.idx.msk [tilespmem:v27+s23+$0x0], $0xffff  }
0xa3: {  	v25 =	vadd.s32 v9, v16  }
0xa4: {  	v20 =	vadd.f32 v20, v17;
	v18 =	vadd.f32 v19, v18;
	v19 =	vmul.f32 v22, v22;
	v27 =	vld.idx.msk [tilespmem:v26+s23+$0x0], $0xffff  }
0xa5: {  	v26 =	vadd.s32 v10, v16  }
0xa6: {  	v17 =	vld.idx.msk [tilespmem:v24+s23+$0x0], $0xffff;
	v20 =	vadd.f32 v22, v20;
	v18 =	vadd.f32 v19, v18;
	v22 =	vmul.f32 v21, v21  }
0xa7: {  	v24 =	vadd.s32 v11, v16  }
.Ltmp2:
0xa8: {  	v19 =	vld.idx.msk [tilespmem:v25+s23+$0x0], $0xffff;
	v20 =	vadd.f32 v21, v20;
	v21 =	vadd.f32 v22, v18;
	v25 =	vmul.f32 v23, v23;
	(pc) =	sbr.rel @p0 .LBB2_7-.Ltmp2, $4  }
0xa9: {  	v28 =	vmov s2;
	v22 =	vadd.s32 v12, v16  }
0xaa: {  	v30 =	vmul.f32 v27, v27;
	v18 =	vld.idx.msk [tilespmem:v26+s23+$0x0], $0xffff;
	v23 =	vadd.f32 v23, v20;
	v29 =	vadd.f32 v25, v21  }
0xab: {  	v25 =	vshrl.u32 v28, $0x3;
	v21 =	vadd.s32 v13, v16  }
0xac: {  	s2 =	sadd.s32 $0x8, s2;
	v26 =	vmul.f32 v17, v17;
	v20 =	vld.idx.msk [tilespmem:v24+s23+$0x0], $0xffff;
	v23 =	vadd.f32 v27, v23;
	v24 =	vadd.f32 v30, v29  }
0xad: {  	_ = 	snop  }
0xae: {  	v17 =	vadd.f32 v17, v23  }
0xaf: {  	v23 =	vshll.u32 v25, $0x3;
	v25 =	vadd.s32 v14, v16  }
0xb0: {  	v24 =	vadd.f32 v26, v24;
	v26 =	vmul.f32 v19, v19;
	v17 =	vadd.f32 v19, v17  }
0xb1: {  	v16 =	vadd.s32 v15, v16;
	v19 =	vld.idx.msk [tilespmem:v22+s23+$0x0], $0xffff;
	v22 =	vbroadcast v23, $0x0  }
0xb2: {  	v23 =	vadd.f32 v26, v24;
	v24 =	vmul.f32 v18, v18;
	v17 =	vadd.f32 v18, v17  }
0xb3: {  	v18 =	vld.idx.msk [tilespmem:v21+s23+$0x0], $0xffff;
	v21 =	vor.u32 v3, v22  }
0xb4: {  	v23 =	vadd.f32 v24, v23;
	v24 =	vmul.f32 v20, v20;
	v17 =	vadd.f32 v20, v17  }
0xb5: {  	v20 =	vld.idx.msk [tilespmem:v25+s23+$0x0], $0xffff;
	v25 =	vadd.s32 v9, v22  }
0xb6: {  	v23 =	vadd.f32 v24, v23;
	v24 =	vmul.f32 v19, v19;
	v17 =	vadd.f32 v19, v17  }
0xb7: {  	v16 =	vld.idx.msk [tilespmem:v16+s23+$0x0], $0xffff;
	v19 =	vadd.s32 v10, v22  }
0xb8: {  	v23 =	vadd.f32 v24, v23;
	v24 =	vmul.f32 v18, v18;
	v17 =	vadd.f32 v18, v17  }
0xb9: {  	v18 =	vld.idx.msk [tilespmem:v21+s23+$0x0], $0xffff;
	v21 =	vadd.s32 v11, v22  }
0xba: {  	v23 =	vadd.f32 v24, v23;
	v24 =	vmul.f32 v20, v20;
	v17 =	vadd.f32 v20, v17  }
0xbb: {  	v20 =	vld.idx.msk [tilespmem:v25+s23+$0x0], $0xffff;
	v25 =	vadd.s32 v12, v22  }
0xbc: {  	v23 =	vadd.f32 v24, v23;
	v24 =	vmul.f32 v16, v16;
	v16 =	vadd.f32 v16, v17  }
0xbd: {  	v17 =	vld.idx.msk [tilespmem:v19+s23+$0x0], $0xffff;
	v19 =	vadd.s32 v13, v22  }
0xbe: {  	v26 =	vmul.f32 v18, v18;
	v23 =	vadd.f32 v24, v23;
	v16 =	vadd.f32 v18, v16  }
0xbf: {  	v18 =	vld.idx.msk [tilespmem:v21+s23+$0x0], $0xffff;
	v21 =	vadd.s32 v14, v22  }
0xc0: {  	v23 =	vadd.f32 v26, v23;
	v24 =	vmul.f32 v20, v20;
	v16 =	vadd.f32 v20, v16  }
0xc1: {  	v22 =	vadd.s32 v15, v22;
	v20 =	vld.idx.msk [tilespmem:v25+s23+$0x0], $0xffff  }
0xc2: {  	v23 =	vadd.f32 v24, v23;
	v24 =	vmul.f32 v17, v17;
	v16 =	vadd.f32 v17, v16  }
0xc3: {  	v17 =	vld.idx.msk [tilespmem:v19+s23+$0x0], $0xffff  }
0xc4: {  	v19 =	vadd.f32 v24, v23;
	v23 =	vmul.f32 v18, v18;
	v16 =	vadd.f32 v18, v16  }
0xc5: {  	v18 =	vld.idx.msk [tilespmem:v21+s23+$0x0], $0xffff  }
0xc6: {  	v19 =	vadd.f32 v23, v19;
	v21 =	vmul.f32 v20, v20;
	v16 =	vadd.f32 v20, v16  }
0xc7: {  	v20 =	vld.idx.msk [tilespmem:v22+s23+$0x0], $0xffff  }
0xc8: {  	v19 =	vadd.f32 v21, v19;
	v21 =	vmul.f32 v17, v17;
	v16 =	vadd.f32 v17, v16;
	_ =	sdelay $0x1  }
0xc9: {  	v17 =	vadd.f32 v21, v19;
	v19 =	vmul.f32 v18, v18;
	v16 =	vadd.f32 v18, v16;
	_ =	sdelay $0x1  }
0xca: {  	v17 =	vadd.f32 v19, v17;
	v18 =	vmul.f32 v20, v20;
	v16 =	vadd.f32 v20, v16;
	_ =	sdelay $0x1  }
0xcb: {  	v17 =	vadd.f32 v18, v17;
	v16 =	vmul.f32 $4.882812500e-04, v16;
	_ =	sdelay $0x1  }
0xcc: {  	v17 =	vmul.f32 $4.882812500e-04, v17;
	v18 =	vmul.f32 v16, v16;
	_ =	sdelay $0x1  }
0xcd: {  	v17 =	vsub.f32 v17, v18;
	_ =	sdelay $0x1  }
0xce: {  	v17 =	vadd.f32 $9.999999960e-13, v17;
	_ =	sdelay $0x1  }
0xcf: {  	v18 =	vmul.f32 $5.000000000e-01, v17;
	v17 =	vshra.s32 v17, $0x1  }
0xd0: {  	v17 =	vsub.s32 $0x5F3759DF, v17  }
0xd1: {  	v19 =	vmul.f32 v17, v18;
	_ =	sdelay $0x1  }
0xd2: {  	v19 =	vmul.f32 v17, v19;
	_ =	sdelay $0x1  }
0xd3: {  	v19 =	vsub.f32 $1.500000000e+00, v19;
	_ =	sdelay $0x1  }
0xd4: {  	v17 =	vmul.f32 v17, v19;
	_ =	sdelay $0x1  }
0xd5: {  	v19 =	vmul.f32 v17, v18;
	_ =	sdelay $0x1  }
0xd6: {  	v19 =	vmul.f32 v19, v17;
	_ =	sdelay $0x1  }
0xd7: {  	v19 =	vsub.f32 $1.500000000e+00, v19;
	_ =	sdelay $0x1  }
0xd8: {  	v17 =	vmul.f32 v19, v17  }
0xd9: {  	v20 =	vbroadcast v16, $0x0;
	v21 =	vbroadcast v16, $0x1  }
0xda: {  	v23 =	vbroadcast v16, $0x2;
	v18 =	vmul.f32 v17, v18  }
0xdb: {  	v24 =	vbroadcast v16, $0x3;
	v25 =	vbroadcast v16, $0x4  }
0xdc: {  	v26 =	vbroadcast v16, $0x5;
	v18 =	vmul.f32 v18, v17  }
0xdd: {  	v28 =	vbroadcast v16, $0x6;
	v29 =	vbroadcast v16, $0x7  }
0xde: {  	s2 =	simm.s32 $0x0;
	v30 =	vbroadcast v16, $0x8;
	v31 =	vbroadcast v16, $0x9;
	v18 =	vsub.f32 $1.500000000e+00, v18  }
0xdf: {  	v32 =	vld [tilespmem:s2+$0x300];
	v27 =	vbroadcast v16, $0xA;
	v22 =	vbroadcast v16, $0xB  }
0xe0: {  	v50 =	vld [tilespmem:s2+$0x700];
	v19 =	vbroadcast v16, $0xC;
	v33 =	vmul.f32 v18, v17  }
0xe1: {  	v51 =	vld [tilespmem:s2+$0xB00];
	v18 =	vbroadcast v16, $0xD;
	v17 =	vbroadcast v16, $0xE  }
0xe2: {  	v52 =	vld [tilespmem:s2+$0xF00];
	v16 =	vbroadcast v16, $0xF;
	v37 =	vbroadcast v33, $0x0  }
0xe3: {  	v49 =	vld [tilespmem:s2+$0x8300];
	v38 =	vbroadcast v33, $0x1;
	v40 =	vbroadcast v33, $0x2  }
0xe4: {  	v54 =	vld [tilespmem:s2+$0x1300];
	v41 =	vbroadcast v33, $0x3;
	v42 =	vbroadcast v33, $0x4  }
0xe5: {  	v55 =	vld [tilespmem:s2+$0x1700];
	v53 =	vsub.f32 v32, v20;
	v43 =	vbroadcast v33, $0x5;
	v44 =	vbroadcast v33, $0x6  }
0xe6: {  	v56 =	vld [tilespmem:s2+$0x1B00];
	v50 =	vsub.f32 v50, v21;
	v45 =	vbroadcast v33, $0x7;
	v46 =	vbroadcast v33, $0x8  }
0xe7: {  	v57 =	vld [tilespmem:s2+$0x1F00];
	v51 =	vsub.f32 v51, v23;
	v47 =	vbroadcast v33, $0x9;
	v39 =	vbroadcast v33, $0xA  }
0xe8: {  	v58 =	vld [tilespmem:s2+$0x2300];
	v52 =	vsub.f32 v52, v24;
	v36 =	vbroadcast v33, $0xB;
	v35 =	vbroadcast v33, $0xC  }
0xe9: {  	v61 =	vld [tilespmem:s2+$0x2700];
	v60 =	vsub.f32 v54, v25;
	v34 =	vbroadcast v33, $0xD;
	v32 =	vbroadcast v33, $0xE  }
0xea: {  	v48 =	vld [tilespmem:s2+$0x8B00];
	v55 =	vsub.f32 v55, v26;
	v33 =	vbroadcast v33, $0xF;
	v53 =	vmul.f32 v53, v37  }
0xeb: {  	v56 =	vsub.f32 v56, v28;
	v50 =	vmul.f32 v50, v38;
	v51 =	vmul.f32 v51, v40  }
0xec: {  	v57 =	vsub.f32 v57, v29;
	v52 =	vmul.f32 v52, v41;
	v60 =	vmul.f32 v60, v42  }
0xed: {  	v58 =	vsub.f32 v58, v30;
	v55 =	vmul.f32 v55, v43;
	v53 =	vmul.f32 v53, v49  }
0xee: {  	v1 =	vsub.f32 v61, v31;
	v56 =	vmul.f32 v56, v44;
	v50 =	vmul.f32 v50, v49  }
0xef: {  	v54 =	vld [tilespmem:s2+$0x2B00];
	v63 =	vmul.f32 v57, v45;
	v51 =	vmul.f32 v51, v49;
	v59 =	vadd.f32 v53, v48  }
0xf0: {  	v60 =	vmul.f32 v60, v49;
	v0 =	vadd.f32 v50, v48;
	v50 =	vmul.f32 v52, v49;
	v52 =	vld [tilespmem:s2+$0x2F00]  }
0xf1: {  	v62 =	vmul.f32 v58, v46;
	v53 =	vadd.f32 v51, v48;
	v51 =	vld [tilespmem:s2+$0x3300];
	[tilespmem:s2+$0x300] =	vst v59;
	v59 =	vmul.f32 v55, v49  }
0xf2: {  	v61 =	vmul.f32 v56, v49;
	v57 =	vadd.f32 v60, v48;
	v60 =	vmul.f32 v1, v47;
	v55 =	vld [tilespmem:s2+$0x3700]  }
0xf3: {  	s4 =	simm.s32 $0x40;
	s3 =	simm.s32 $0x0;
	v56 =	vld [tilespmem:s2+$0x3B00];
	v50 =	vadd.f32 v50, v48;
	[tilespmem:s2+$0x700] =	vst v0;
	v58 =	vadd.f32 v59, v48;
	v59 =	vmul.f32 v63, v49  }
.LBB2_9:
0xf4: {  	p0 =	sne.s32 s4, $0xFC0;
	[tilespmem:s3+$0xB00] =	vst v53;
	v53 =	vadd.f32 v61, v48;
	v61 =	vmul.f32 v62, v49;
	v54 =	vsub.f32 v54, v27;
	v62 =	vld [tilespmem:s3+$0x3F00]  }
0xf5: {  	[tilespmem:s3+$0xF00] =	vst v50;
	v50 =	vadd.f32 v59, v48;
	v59 =	vmul.f32 v60, v49;
	v52 =	vsub.f32 v52, v22  }
0xf6: {  	s15 =	sshra.s32 s4, $0x2;
	[tilespmem:s3+$0x1300] =	vst v57;
	v57 =	vadd.f32 v61, v48;
	v54 =	vmul.f32 v54, v39;
	v51 =	vsub.f32 v51, v19  }
0xf7: {  	v60 =	vld [tilespmem:s15+$0x300];
	[tilespmem:s3+$0x1700] =	vst v58;
	v58 =	vadd.f32 v59, v48;
	v52 =	vmul.f32 v52, v36;
	v55 =	vsub.f32 v55, v18  }
0xf8: {  	v59 =	vld [tilespmem:s15+$0x700];
	[tilespmem:s3+$0x1B00] =	vst v53;
	v53 =	vmul.f32 v54, v49;
	v51 =	vmul.f32 v51, v35;
	v54 =	vsub.f32 v56, v17  }
0xf9: {  	v56 =	vld [tilespmem:s15+$0xB00];
	[tilespmem:s3+$0x1F00] =	vst v50;
	v50 =	vmul.f32 v52, v49;
	v52 =	vmul.f32 v55, v34;
	v55 =	vsub.f32 v62, v16  }
0xfa: {  	v61 =	vld [tilespmem:s15+$0xF00];
	[tilespmem:s3+$0x2300] =	vst v57;
	v53 =	vadd.f32 v53, v48;
	v51 =	vmul.f32 v51, v49;
	v54 =	vmul.f32 v54, v32  }
0xfb: {  	v57 =	vld [tilespmem:s15+$0x8300];
	[tilespmem:s3+$0x2700] =	vst v58;
	v50 =	vadd.f32 v50, v48;
	v52 =	vmul.f32 v52, v49;
	v55 =	vmul.f32 v55, v33  }
0xfc: {  	v58 =	vld [tilespmem:s15+$0x8B00];
	v60 =	vsub.f32 v60, v20;
	[tilespmem:s3+$0x2B00] =	vst v53;
	v51 =	vadd.f32 v51, v48;
	v53 =	vmul.f32 v54, v49  }
0xfd: {  	v54 =	vsub.f32 v59, v21;
	v59 =	vld [tilespmem:s15+$0x1300];
	[tilespmem:s3+$0x2F00] =	vst v50;
	v50 =	vadd.f32 v52, v48;
	v0 =	vmul.f32 v55, v49  }
0xfe: {  	v52 =	vmul.f32 v60, v37;
	v55 =	vsub.f32 v56, v23;
	v56 =	vld [tilespmem:s15+$0x1700];
	[tilespmem:s3+$0x3300] =	vst v51;
	v51 =	vadd.f32 v53, v48  }
0xff: {  	v53 =	vmul.f32 v54, v38;
	v54 =	vsub.f32 v61, v24;
	v60 =	vld [tilespmem:s15+$0x1B00];
	[tilespmem:s3+$0x3700] =	vst v50;
	v0 =	vadd.f32 v0, v48  }
0x100: {  	v50 =	vmul.f32 v52, v57;
	v52 =	vmul.f32 v55, v40;
	v55 =	vld [tilespmem:s15+$0x1F00];
	[tilespmem:s3+$0x3B00] =	vst v51;
	v49 =	vmov v57  }
0x101: {  	v51 =	vmul.f32 v53, v49;
	v53 =	vmul.f32 v54, v41;
	v57 =	vld [tilespmem:s15+$0x2300];
	[tilespmem:s3+$0x3F00] =	vst v0;
	v48 =	vmov v58;
	s3 =	smov.u32 s15  }
0x102: {  	v58 =	vadd.f32 v50, v48;
	v50 =	vmul.f32 v52, v49;
	v52 =	vsub.f32 v59, v25;
	v59 =	vld [tilespmem:s3+$0x2700]  }
0x103: {  	v63 =	vadd.f32 v51, v48;
	v51 =	vmul.f32 v53, v49;
	v54 =	vsub.f32 v56, v26  }
0x104: {  	v53 =	vadd.f32 v50, v48;
	v52 =	vmul.f32 v52, v42;
	v56 =	vsub.f32 v60, v28  }
.Ltmp3:
0x105: {  	v50 =	vadd.f32 v51, v48;
	v51 =	vmul.f32 v54, v43;
	v55 =	vsub.f32 v55, v29;
	v54 =	vld [tilespmem:s3+$0x2B00];
	(pc) =	sbr.rel @p0 .LBB2_9-.Ltmp3, $4  }
0x106: {  	v60 =	vmul.f32 v52, v49;
	v56 =	vmul.f32 v56, v44;
	v62 =	vsub.f32 v57, v30;
	v52 =	vld [tilespmem:s3+$0x2F00]  }
0x107: {  	v0 =	vmul.f32 v51, v49;
	v1 =	vmul.f32 v55, v45;
	v2 =	vsub.f32 v59, v31;
	v51 =	vld [tilespmem:s3+$0x3300]  }
0x108: {  	[tilespmem:s3+$0x300] =	vst v58;
	v57 =	vadd.f32 v60, v48;
	v61 =	vmul.f32 v56, v49;
	v62 =	vmul.f32 v62, v46;
	v55 =	vld [tilespmem:s3+$0x3700]  }
0x109: {  	s4 =	sadd.s32 $0x40, s4;
	[tilespmem:s3+$0x700] =	vst v63;
	v58 =	vadd.f32 v0, v48;
	v59 =	vmul.f32 v1, v49;
	v60 =	vmul.f32 v2, v47;
	v56 =	vld [tilespmem:s3+$0x3B00]  }
0x10a: {  	[tilespmem:s3+$0xB00] =	vst v53;
	v0 =	vadd.f32 v61, v48;
	v1 =	vmul.f32 v62, v49;
	v2 =	vsub.f32 v54, v27;
	v61 =	vld [tilespmem:s3+$0x3F00]  }
0x10b: {  	[tilespmem:s3+$0xF00] =	vst v50;
	v62 =	vadd.f32 v59, v48;
	v63 =	vmul.f32 v60, v49;
	v52 =	vsub.f32 v52, v22  }
0x10c: {  	[tilespmem:s3+$0x1300] =	vst v57;
	v1 =	vadd.f32 v1, v48;
	v2 =	vmul.f32 v2, v39;
	v51 =	vsub.f32 v51, v19  }
0x10d: {  	[tilespmem:s3+$0x1700] =	vst v58;
	v54 =	vadd.f32 v63, v48;
	v52 =	vmul.f32 v52, v36;
	v55 =	vsub.f32 v55, v18  }
0x10e: {  	[tilespmem:s3+$0x1B00] =	vst v0;
	v0 =	vmul.f32 v2, v49;
	v2 =	vmul.f32 v51, v35;
	v57 =	vsub.f32 v56, v17  }
0x10f: {  	[tilespmem:s3+$0x1F00] =	vst v62;
	v58 =	vmul.f32 v52, v49;
	v59 =	vmul.f32 v55, v34;
	v53 =	vsub.f32 v61, v16  }
0x110: {  	[tilespmem:s3+$0x2300] =	vst v1;
	v0 =	vadd.f32 v0, v48;
	v1 =	vmul.f32 v2, v49;
	v2 =	vmul.f32 v57, v32  }
0x111: {  	[tilespmem:s3+$0x2700] =	vst v54;
	v50 =	vadd.f32 v58, v48;
	v60 =	vmul.f32 v59, v49;
	v61 =	vmul.f32 v53, v33  }
0x112: {  	[tilespmem:s3+$0x2B00] =	vst v0;
	v0 =	vadd.f32 v1, v48;
	v1 =	vmul.f32 v2, v49  }
0x113: {  	[tilespmem:s3+$0x2F00] =	vst v50;
	v2 =	vadd.f32 v60, v48;
	v62 =	vmul.f32 v61, v49  }
0x114: {  	[tilespmem:s3+$0x3300] =	vst v0;
	v0 =	vadd.f32 v1, v48  }
0x115: {  	[tilespmem:s3+$0x3700] =	vst v2;
	v1 =	vadd.f32 v62, v48  }
0x116: {  	[tilespmem:s3+$0x3B00] =	vst v0  }
0x117: {  	[tilespmem:s3+$0x3F00] =	vst v1  }
0x118: {  	v0 =	vld [tilespmem:s2+$0x4300]  }
0x119: {  	v1 =	vld [tilespmem:s2+$0x4500]  }
0x11a: {  	v2 =	vld [tilespmem:s2+$0x4700]  }
0x11b: {  	v50 =	vld [tilespmem:s2+$0x4900]  }
0x11c: {  	v63 =	vld [tilespmem:s2+$0x4B00]  }
0x11d: {  	v60 =	vld [tilespmem:s2+$0x4D00]  }
0x11e: {  	v61 =	vld [tilespmem:s2+$0x4F00];
	_ =	sdelay $0x1  }
0x11f: {  	v62 =	vld [tilespmem:s2+$0x5100];
	v0 =	vsub.f32 v0, v20;
	v1 =	vsub.f32 v1, v21  }
0x120: {  	v49 =	vld [tilespmem:s2+$0x8700];
	v2 =	vsub.f32 v2, v23;
	v50 =	vsub.f32 v50, v24  }
0x121: {  	v57 =	vld [tilespmem:s2+$0x5300];
	v51 =	vsub.f32 v63, v25;
	v63 =	vsub.f32 v60, v26  }
0x122: {  	v48 =	vld [tilespmem:s2+$0x8F00];
	v55 =	vsub.f32 v61, v28;
	v0 =	vmul.f32 v0, v37;
	v1 =	vmul.f32 v1, v38  }
0x123: {  	v58 =	vld [tilespmem:s2+$0x5500];
	v2 =	vmul.f32 v2, v40;
	v50 =	vmul.f32 v50, v41  }
0x124: {  	v56 =	vsub.f32 v62, v29;
	v59 =	vmul.f32 v63, v43;
	v60 =	vmul.f32 v55, v44  }
0x125: {  	v0 =	vmul.f32 v0, v49;
	v2 =	vmul.f32 v2, v49  }
0x126: {  	v62 =	vsub.f32 v57, v30;
	v56 =	vmul.f32 v56, v45;
	v1 =	vmul.f32 v1, v49  }
0x127: {  	v54 =	vld [tilespmem:s2+$0x5700];
	v0 =	vadd.f32 v0, v48;
	v53 =	vadd.f32 v2, v48;
	v2 =	vmul.f32 v51, v42  }
0x128: {  	v52 =	vld [tilespmem:s2+$0x5900];
	v63 =	vsub.f32 v58, v31;
	v62 =	vmul.f32 v62, v46;
	v50 =	vmul.f32 v50, v49  }
0x129: {  	v1 =	vadd.f32 v1, v48;
	v51 =	vld [tilespmem:s2+$0x5B00];
	v2 =	vmul.f32 v2, v49;
	[tilespmem:s2+$0x4300] =	vst v0;
	v0 =	vmul.f32 v59, v49  }
0x12a: {  	v55 =	vld [tilespmem:s2+$0x5D00];
	v61 =	vmul.f32 v60, v49;
	v60 =	vmul.f32 v63, v47;
	v50 =	vadd.f32 v50, v48  }
0x12b: {  	s3 =	simm.s32 $0x40;
	[tilespmem:s2+$0x4500] =	vst v1;
	v59 =	vmul.f32 v56, v49;
	v56 =	vld [tilespmem:s2+$0x5F00];
	v57 =	vadd.f32 v2, v48;
	v58 =	vadd.f32 v0, v48  }
.LBB2_11:
0x12c: {  	p0 =	sne.s32 s3, $0x7C0;
	[tilespmem:s2+$0x4700] =	vst v53;
	v0 =	vadd.f32 v61, v48;
	v1 =	vmul.f32 v62, v49;
	v2 =	vsub.f32 v54, v27;
	v53 =	vld [tilespmem:s2+$0x6100]  }
0x12d: {  	[tilespmem:s2+$0x4900] =	vst v50;
	v50 =	vadd.f32 v59, v48;
	v54 =	vmul.f32 v60, v49;
	v52 =	vsub.f32 v52, v22  }
0x12e: {  	s4 =	sshra.s32 s3, $0x2;
	[tilespmem:s2+$0x4B00] =	vst v57;
	v1 =	vadd.f32 v1, v48;
	v2 =	vmul.f32 v2, v39;
	v51 =	vsub.f32 v51, v19  }
0x12f: {  	v57 =	vld [tilespmem:s4+$0x4300];
	[tilespmem:s2+$0x4D00] =	vst v58;
	v54 =	vadd.f32 v54, v48;
	v52 =	vmul.f32 v52, v36;
	v55 =	vsub.f32 v55, v18  }
0x130: {  	v58 =	vld [tilespmem:s4+$0x4500];
	[tilespmem:s2+$0x4F00] =	vst v0;
	v0 =	vmul.f32 v2, v49;
	v2 =	vmul.f32 v51, v35;
	v51 =	vsub.f32 v56, v17  }
0x131: {  	v56 =	vld [tilespmem:s4+$0x4700];
	[tilespmem:s2+$0x5100] =	vst v50;
	v50 =	vmul.f32 v52, v49;
	v52 =	vmul.f32 v55, v34;
	v53 =	vsub.f32 v53, v16  }
0x132: {  	v55 =	vld [tilespmem:s4+$0x4900];
	[tilespmem:s2+$0x5300] =	vst v1;
	v0 =	vadd.f32 v0, v48;
	v1 =	vmul.f32 v2, v49;
	v2 =	vmul.f32 v51, v32  }
0x133: {  	v51 =	vld [tilespmem:s4+$0x8700];
	[tilespmem:s2+$0x5500] =	vst v54;
	v50 =	vadd.f32 v50, v48;
	v52 =	vmul.f32 v52, v49;
	v53 =	vmul.f32 v53, v33  }
0x134: {  	v54 =	vld [tilespmem:s4+$0x8F00];
	v57 =	vsub.f32 v57, v20;
	[tilespmem:s2+$0x5700] =	vst v0;
	v0 =	vadd.f32 v1, v48;
	v1 =	vmul.f32 v2, v49  }
0x135: {  	v2 =	vsub.f32 v58, v21;
	v58 =	vld [tilespmem:s4+$0x4B00];
	[tilespmem:s2+$0x5900] =	vst v50;
	v50 =	vadd.f32 v52, v48;
	v59 =	vmul.f32 v53, v49  }
0x136: {  	v52 =	vmul.f32 v57, v37;
	v53 =	vsub.f32 v56, v23;
	v56 =	vld [tilespmem:s4+$0x4D00];
	[tilespmem:s2+$0x5B00] =	vst v0;
	v0 =	vadd.f32 v1, v48  }
0x137: {  	v1 =	vmul.f32 v2, v38;
	v2 =	vsub.f32 v55, v24;
	v55 =	vld [tilespmem:s4+$0x4F00];
	[tilespmem:s2+$0x5D00] =	vst v50;
	v59 =	vadd.f32 v59, v48  }
0x138: {  	v50 =	vmul.f32 v52, v51;
	v52 =	vmul.f32 v53, v40;
	v57 =	vld [tilespmem:s4+$0x5100];
	[tilespmem:s2+$0x5F00] =	vst v0;
	v49 =	vmov v51  }
0x139: {  	v0 =	vmul.f32 v1, v49;
	v1 =	vmul.f32 v2, v41;
	v2 =	vld [tilespmem:s4+$0x5300];
	[tilespmem:s2+$0x6100] =	vst v59;
	v48 =	vmov v54;
	s2 =	smov.u32 s4  }
0x13a: {  	v59 =	vadd.f32 v50, v48;
	v50 =	vmul.f32 v52, v49;
	v51 =	vsub.f32 v58, v25;
	v58 =	vld [tilespmem:s2+$0x5500]  }
0x13b: {  	v0 =	vadd.f32 v0, v48;
	v1 =	vmul.f32 v1, v49;
	v52 =	vsub.f32 v56, v26  }
0x13c: {  	v53 =	vadd.f32 v50, v48;
	v51 =	vmul.f32 v51, v42;
	v55 =	vsub.f32 v55, v28  }
.Ltmp4:
0x13d: {  	v50 =	vadd.f32 v1, v48;
	v1 =	vmul.f32 v52, v43;
	v56 =	vsub.f32 v57, v29;
	v54 =	vld [tilespmem:s2+$0x5700];
	(pc) =	sbr.rel @p0 .LBB2_11-.Ltmp4, $4  }
0x13e: {  	v57 =	vmul.f32 v51, v49;
	v55 =	vmul.f32 v55, v44;
	v2 =	vsub.f32 v2, v30;
	v52 =	vld [tilespmem:s2+$0x5900]  }
0x13f: {  	v1 =	vmul.f32 v1, v49;
	v56 =	vmul.f32 v56, v45;
	v60 =	vsub.f32 v58, v31;
	v51 =	vld [tilespmem:s2+$0x5B00]  }
0x140: {  	[tilespmem:s2+$0x4300] =	vst v59;
	v57 =	vadd.f32 v57, v48;
	v61 =	vmul.f32 v55, v49;
	v62 =	vmul.f32 v2, v46;
	v55 =	vld [tilespmem:s2+$0x5D00]  }
0x141: {  	s3 =	sadd.s32 $0x40, s3;
	[tilespmem:s2+$0x4500] =	vst v0;
	v58 =	vadd.f32 v1, v48;
	v59 =	vmul.f32 v56, v49;
	v60 =	vmul.f32 v60, v47;
	v56 =	vld [tilespmem:s2+$0x5F00]  }
0x142: {  	[tilespmem:s2+$0x4700] =	vst v53;
	v0 =	vadd.f32 v61, v48;
	v1 =	vmul.f32 v62, v49;
	v2 =	vsub.f32 v54, v27;
	v61 =	vld [tilespmem:s2+$0x6100]  }
0x143: {  	[tilespmem:s2+$0x4900] =	vst v50;
	v62 =	vadd.f32 v59, v48;
	v63 =	vmul.f32 v60, v49;
	v52 =	vsub.f32 v52, v22  }
0x144: {  	[tilespmem:s2+$0x4B00] =	vst v57;
	v1 =	vadd.f32 v1, v48;
	v2 =	vmul.f32 v2, v39;
	v51 =	vsub.f32 v51, v19  }
0x145: {  	[tilespmem:s2+$0x4D00] =	vst v58;
	v54 =	vadd.f32 v63, v48;
	v52 =	vmul.f32 v52, v36;
	v55 =	vsub.f32 v55, v18  }
0x146: {  	[tilespmem:s2+$0x4F00] =	vst v0;
	v0 =	vmul.f32 v2, v49;
	v2 =	vmul.f32 v51, v35;
	v57 =	vsub.f32 v56, v17  }
0x147: {  	[tilespmem:s2+$0x5100] =	vst v62;
	v58 =	vmul.f32 v52, v49;
	v59 =	vmul.f32 v55, v34;
	v53 =	vsub.f32 v61, v16  }
0x148: {  	[tilespmem:s2+$0x5300] =	vst v1;
	v0 =	vadd.f32 v0, v48;
	v1 =	vmul.f32 v2, v49;
	v2 =	vmul.f32 v57, v32  }
0x149: {  	[tilespmem:s2+$0x5500] =	vst v54;
	v50 =	vadd.f32 v58, v48;
	v60 =	vmul.f32 v59, v49;
	v61 =	vmul.f32 v53, v33  }
0x14a: {  	[tilespmem:s2+$0x5700] =	vst v0;
	v0 =	vadd.f32 v1, v48;
	v1 =	vmul.f32 v2, v49  }
0x14b: {  	[tilespmem:s2+$0x5900] =	vst v50;
	v2 =	vadd.f32 v60, v48;
	v62 =	vmul.f32 v61, v49  }
0x14c: {  	[tilespmem:s2+$0x5B00] =	vst v0;
	v0 =	vadd.f32 v1, v48  }
0x14d: {  	[tilespmem:s2+$0x5D00] =	vst v2;
	v1 =	vadd.f32 v62, v48  }
0x14e: {  	[tilespmem:s2+$0x5F00] =	vst v0  }
0x14f: {  	[tilespmem:s2+$0x6100] =	vst v1;
	s2 =	simm.s32 $0x0  }
0x150: {  	v0 =	vld [tilespmem:s2+$0x6300]  }
0x151: {  	v1 =	vld [tilespmem:s2+$0x6500]  }
0x152: {  	v2 =	vld [tilespmem:s2+$0x6700]  }
0x153: {  	v50 =	vld [tilespmem:s2+$0x6900]  }
0x154: {  	v63 =	vld [tilespmem:s2+$0x6B00]  }
0x155: {  	v60 =	vld [tilespmem:s2+$0x6D00]  }
0x156: {  	v61 =	vld [tilespmem:s2+$0x6F00];
	_ =	sdelay $0x1  }
0x157: {  	v62 =	vld [tilespmem:s2+$0x7100];
	v0 =	vsub.f32 v0, v20;
	v1 =	vsub.f32 v1, v21  }
0x158: {  	v49 =	vld [tilespmem:s2+$0x8900];
	v2 =	vsub.f32 v2, v23;
	v50 =	vsub.f32 v50, v24  }
0x159: {  	v57 =	vld [tilespmem:s2+$0x7300];
	v51 =	vsub.f32 v63, v25;
	v63 =	vsub.f32 v60, v26  }
0x15a: {  	v48 =	vld [tilespmem:s2+$0x9100];
	v55 =	vsub.f32 v61, v28;
	v0 =	vmul.f32 v0, v37;
	v1 =	vmul.f32 v1, v38  }
0x15b: {  	v58 =	vld [tilespmem:s2+$0x7500];
	v2 =	vmul.f32 v2, v40;
	v50 =	vmul.f32 v50, v41  }
0x15c: {  	v56 =	vsub.f32 v62, v29;
	v59 =	vmul.f32 v63, v43;
	v60 =	vmul.f32 v55, v44  }
0x15d: {  	v0 =	vmul.f32 v0, v49;
	v2 =	vmul.f32 v2, v49  }
0x15e: {  	v62 =	vsub.f32 v57, v30;
	v56 =	vmul.f32 v56, v45;
	v1 =	vmul.f32 v1, v49  }
0x15f: {  	v54 =	vld [tilespmem:s2+$0x7700];
	v0 =	vadd.f32 v0, v48;
	v53 =	vadd.f32 v2, v48;
	v2 =	vmul.f32 v51, v42  }
0x160: {  	v52 =	vld [tilespmem:s2+$0x7900];
	v63 =	vsub.f32 v58, v31;
	v62 =	vmul.f32 v62, v46;
	v50 =	vmul.f32 v50, v49  }
0x161: {  	v1 =	vadd.f32 v1, v48;
	v51 =	vld [tilespmem:s2+$0x7B00];
	v2 =	vmul.f32 v2, v49;
	[tilespmem:s2+$0x6300] =	vst v0;
	v0 =	vmul.f32 v59, v49  }
0x162: {  	v55 =	vld [tilespmem:s2+$0x7D00];
	v61 =	vmul.f32 v60, v49;
	v60 =	vmul.f32 v63, v47;
	v50 =	vadd.f32 v50, v48  }
0x163: {  	s3 =	simm.s32 $0x40;
	[tilespmem:s2+$0x6500] =	vst v1;
	v59 =	vmul.f32 v56, v49;
	v56 =	vld [tilespmem:s2+$0x7F00];
	v57 =	vadd.f32 v2, v48;
	v58 =	vadd.f32 v0, v48  }
.LBB2_13:
0x164: {  	p0 =	sne.s32 s3, $0x7C0;
	[tilespmem:s2+$0x6700] =	vst v53;
	v0 =	vadd.f32 v61, v48;
	v1 =	vmul.f32 v62, v49;
	v2 =	vsub.f32 v54, v27;
	v53 =	vld [tilespmem:s2+$0x8100]  }
0x165: {  	[tilespmem:s2+$0x6900] =	vst v50;
	v50 =	vadd.f32 v59, v48;
	v54 =	vmul.f32 v60, v49;
	v52 =	vsub.f32 v52, v22  }
0x166: {  	s4 =	sshra.s32 s3, $0x2;
	[tilespmem:s2+$0x6B00] =	vst v57;
	v1 =	vadd.f32 v1, v48;
	v2 =	vmul.f32 v2, v39;
	v51 =	vsub.f32 v51, v19  }
0x167: {  	v57 =	vld [tilespmem:s4+$0x6300];
	[tilespmem:s2+$0x6D00] =	vst v58;
	v54 =	vadd.f32 v54, v48;
	v52 =	vmul.f32 v52, v36;
	v55 =	vsub.f32 v55, v18  }
0x168: {  	v58 =	vld [tilespmem:s4+$0x6500];
	[tilespmem:s2+$0x6F00] =	vst v0;
	v0 =	vmul.f32 v2, v49;
	v2 =	vmul.f32 v51, v35;
	v51 =	vsub.f32 v56, v17  }
0x169: {  	v56 =	vld [tilespmem:s4+$0x6700];
	[tilespmem:s2+$0x7100] =	vst v50;
	v50 =	vmul.f32 v52, v49;
	v52 =	vmul.f32 v55, v34;
	v53 =	vsub.f32 v53, v16  }
0x16a: {  	v55 =	vld [tilespmem:s4+$0x6900];
	[tilespmem:s2+$0x7300] =	vst v1;
	v0 =	vadd.f32 v0, v48;
	v1 =	vmul.f32 v2, v49;
	v2 =	vmul.f32 v51, v32  }
0x16b: {  	v51 =	vld [tilespmem:s4+$0x8900];
	[tilespmem:s2+$0x7500] =	vst v54;
	v50 =	vadd.f32 v50, v48;
	v52 =	vmul.f32 v52, v49;
	v53 =	vmul.f32 v53, v33  }
0x16c: {  	v54 =	vld [tilespmem:s4+$0x9100];
	v57 =	vsub.f32 v57, v20;
	[tilespmem:s2+$0x7700] =	vst v0;
	v0 =	vadd.f32 v1, v48;
	v1 =	vmul.f32 v2, v49  }
0x16d: {  	v2 =	vsub.f32 v58, v21;
	v58 =	vld [tilespmem:s4+$0x6B00];
	[tilespmem:s2+$0x7900] =	vst v50;
	v50 =	vadd.f32 v52, v48;
	v59 =	vmul.f32 v53, v49  }
0x16e: {  	v52 =	vmul.f32 v57, v37;
	v53 =	vsub.f32 v56, v23;
	v56 =	vld [tilespmem:s4+$0x6D00];
	[tilespmem:s2+$0x7B00] =	vst v0;
	v0 =	vadd.f32 v1, v48  }
0x16f: {  	v1 =	vmul.f32 v2, v38;
	v2 =	vsub.f32 v55, v24;
	v55 =	vld [tilespmem:s4+$0x6F00];
	[tilespmem:s2+$0x7D00] =	vst v50;
	v59 =	vadd.f32 v59, v48  }
0x170: {  	v50 =	vmul.f32 v52, v51;
	v52 =	vmul.f32 v53, v40;
	v57 =	vld [tilespmem:s4+$0x7100];
	[tilespmem:s2+$0x7F00] =	vst v0;
	v49 =	vmov v51  }
0x171: {  	v0 =	vmul.f32 v1, v49;
	v1 =	vmul.f32 v2, v41;
	v2 =	vld [tilespmem:s4+$0x7300];
	[tilespmem:s2+$0x8100] =	vst v59;
	v48 =	vmov v54;
	s2 =	smov.u32 s4  }
0x172: {  	v59 =	vadd.f32 v50, v48;
	v50 =	vmul.f32 v52, v49;
	v51 =	vsub.f32 v58, v25;
	v58 =	vld [tilespmem:s2+$0x7500]  }
0x173: {  	v0 =	vadd.f32 v0, v48;
	v1 =	vmul.f32 v1, v49;
	v52 =	vsub.f32 v56, v26  }
0x174: {  	v53 =	vadd.f32 v50, v48;
	v51 =	vmul.f32 v51, v42;
	v55 =	vsub.f32 v55, v28  }
.Ltmp5:
0x175: {  	v50 =	vadd.f32 v1, v48;
	v1 =	vmul.f32 v52, v43;
	v56 =	vsub.f32 v57, v29;
	v54 =	vld [tilespmem:s2+$0x7700];
	(pc) =	sbr.rel @p0 .LBB2_13-.Ltmp5, $4  }
0x176: {  	v57 =	vmul.f32 v51, v49;
	v55 =	vmul.f32 v55, v44;
	v2 =	vsub.f32 v2, v30;
	v52 =	vld [tilespmem:s2+$0x7900]  }
0x177: {  	v1 =	vmul.f32 v1, v49;
	v56 =	vmul.f32 v56, v45;
	v60 =	vsub.f32 v58, v31;
	v51 =	vld [tilespmem:s2+$0x7B00]  }
0x178: {  	[tilespmem:s2+$0x6300] =	vst v59;
	v57 =	vadd.f32 v57, v48;
	v61 =	vmul.f32 v55, v49;
	v62 =	vmul.f32 v2, v46;
	v55 =	vld [tilespmem:s2+$0x7D00]  }
0x179: {  	s3 =	sadd.s32 $0x40, s3;
	[tilespmem:s2+$0x6500] =	vst v0;
	v58 =	vadd.f32 v1, v48;
	v59 =	vmul.f32 v56, v49;
	v60 =	vmul.f32 v60, v47;
	v56 =	vld [tilespmem:s2+$0x7F00]  }
0x17a: {  	[tilespmem:s2+$0x6700] =	vst v53;
	v0 =	vadd.f32 v61, v48;
	v1 =	vmul.f32 v62, v49;
	v2 =	vsub.f32 v54, v27;
	v20 =	vld [tilespmem:s2+$0x8100]  }
0x17b: {  	[tilespmem:s2+$0x6900] =	vst v50;
	v21 =	vadd.f32 v59, v48;
	v23 =	vmul.f32 v60, v49;
	v22 =	vsub.f32 v52, v22  }
0x17c: {  	[tilespmem:s2+$0x6B00] =	vst v57;
	v1 =	vadd.f32 v1, v48;
	v2 =	vmul.f32 v2, v39;
	v19 =	vsub.f32 v51, v19  }
0x17d: {  	[tilespmem:s2+$0x6D00] =	vst v58;
	v23 =	vadd.f32 v23, v48;
	v22 =	vmul.f32 v22, v36;
	v18 =	vsub.f32 v55, v18  }
0x17e: {  	[tilespmem:s2+$0x6F00] =	vst v0;
	v0 =	vmul.f32 v2, v49;
	v2 =	vmul.f32 v19, v35;
	v17 =	vsub.f32 v56, v17  }
0x17f: {  	[tilespmem:s2+$0x7100] =	vst v21;
	v63 =	vmul.f32 v22, v49;
	v18 =	vmul.f32 v18, v34;
	v16 =	vsub.f32 v20, v16  }
0x180: {  	[tilespmem:s2+$0x7300] =	vst v1;
	v0 =	vadd.f32 v0, v48;
	v1 =	vmul.f32 v2, v49;
	v2 =	vmul.f32 v17, v32  }
0x181: {  	[tilespmem:s2+$0x7500] =	vst v23;
	v17 =	vadd.f32 v63, v48;
	v18 =	vmul.f32 v18, v49;
	v16 =	vmul.f32 v16, v33  }
0x182: {  	[tilespmem:s2+$0x7700] =	vst v0;
	v0 =	vadd.f32 v1, v48;
	v1 =	vmul.f32 v2, v49  }
0x183: {  	[tilespmem:s2+$0x7900] =	vst v17;
	v2 =	vadd.f32 v18, v48;
	v16 =	vmul.f32 v16, v49  }
0x184: {  	[tilespmem:s2+$0x7B00] =	vst v0;
	v0 =	vadd.f32 v1, v48  }
0x185: {  	s0 =	sor.u32 s6, s0;
	[tilespmem:s2+$0x7D00] =	vst v2;
	v1 =	vadd.f32 v16, v48  }
0x186: {  	s0 =	sshll.u32 s0, $0x8;
	[tilespmem:s2+$0x7F00] =	vst v0  }
0x187: {  	s4 =	sadd.s32 s8, s0;
	[tilespmem:s2+$0x8100] =	vst v1  }
0x188: {  	[hbm4b:s4+s28] =	stream.strided.scatter [tilespmem:s21], [sflag:$0x4], $0x4000, s29, s28, $0x38;
	[tilespmem:$0x9300] =	vst v63  }
0x189: {  	_ =	swait.ge [sflag:s16], $0x4000  }
0x18a: {  	[sflag:s16] =	ssyncset.done $0x0  }
0x18b: {  	s15 =	sadd.s32 s0, s12;
	[sflag:s16] =	ssyncadd.s32 $0xFFFFC000  }
0x18c: {  	[hbm4b:s15+s19] =	stream.strided.scatter [tilespmem:s22], [sflag:$0x4], $0x2000, s29, s19, $0x38;
	[tilespmem:$0x9300] =	vst v63  }
0x18d: {  	_ =	swait.ge [sflag:s16], $0x2000  }
0x18e: {  	s31 =	sadd.s32 $0x1, s31;
	[sflag:s16] =	ssyncset.done $0x0  }
0x18f: {  	p0 =	sne.s32 s31, $0x10;
	s0 =	sadd.s32 s0, s13;
	[sflag:s16] =	ssyncadd.s32 $0xFFFFE000  }
0x190: {  	[hbm4b:s0+s19] =	stream.strided.scatter [tilespmem:s23], [sflag:$0x4], $0x2000, s29, s19, $0x38;
	[tilespmem:$0x9300] =	vst v63  }
.Ltmp6:
0x191: {  	_ = 	snop;
	(pc) =	sbr.rel @p0 .LBB2_2-.Ltmp6, $4  }
0x192: {  	_ =	swait.ge [sflag:s16], $0x2000  }
0x193: {  	v0 =	vld [tilespmem:$0x1FFD0]  }
0x194: {  	[sflag:s16] =	ssyncset.done $0x0;
	v1 =	vld [tilespmem:$0x1FFE0]  }
0x195: {  	v2 =	vld [tilespmem:$0x1FFF0];
	[sflag:s16] =	ssyncadd.s32 $0xFFFFE000  }
0x196: {  	s30 =	sadd.s32 $0x1, s30  }
0x197: {  	p0 =	sne.s32 s30, s14  }
.Ltmp7:
0x198: {  	_ = 	snop;
	(pc) =	sbr.rel @p0 .LBB2_1-.Ltmp7, $1  }
0x199: {  	_ =	sdelay $0x3  }
0x19a: {  	_ =	sfence.sel $0x180000  }
0x19b: {  	[bflag:$0x0] =	sbarrier.arrive $0xFFFF  }
0x19c: {  	_ =	strace $0x9000004A  }
0x19d: {  	s0 =	stileid.u32;
	[bflag:$0x2] =	sbarrier.arrive $0xFFFF  }
0x19e: {  	p0 =	sne.s32 s0, $0x0;
	s0 =	rddreg [dreg:$0x4]  }
0x19f: {  	s0 =	sadd.s32 @!p0 $0x100000, s0  }
0x1a0: {  	[sflag:s0] =	ssyncadd.tile.s32 @!p0 $0x1;
	_ =	shalt  }
.Lfunc_end2:
_tile_overlayer_lowered:
.L_overlay_start_2:
0x1a1: {  	(tag) =	ssettag $0x2  }
0x1a2: {  	s0 =	rddreg [dreg:$0x0];
	s2 =	stileid.u32  }
0x1a3: {  	s1 =	rddreg [dreg:$0x1];
	p0 =	sne.s32 s2, $0x0  }
0x1a4: {  	s3 =	rddreg [dreg:$0x2];
	[bflag:$0x3] =	sbarrier.arrive $0xFFFF;
	s2 =	simm.s32 @!p0 $0x1C04  }
0x1a5: {  	[timem:s3], [sflag:s2] =	dma.local @!p0 [hbm:s0], s1  }
0x1a6: {  	s0 =	simm.s32 @!p0 $0x4  }
0x1a7: {  	_ =	swait.ge @!p0 [sflag:s0], s1  }
0x1a8: {  	s1 =	ssub.s32 @!p0 $0x0, s1;
	[sflag:s0] =	ssyncset.done @!p0 $0x0  }
0x1a9: {  	[sflag:s0] =	ssyncadd.s32 @!p0 s1  }
0x1aa: {  	[bflag:$0x3] =	sbarrier.arrive $0xFFFF  }
0x1ab: {  	_ =	shalt  }

// kernel: sparse-core-data-format-call.cloned.1.call-start
scs
called_computation_lowered:
.L_overlay_start_0:
0x0: {  	s2 =	sld [smem:$0x3FD9]  }
0x1: {  	s3 =	sld [smem:$0x3FFE];
	_ =	sdelay $0x1  }
0x2: {  	s1 =	srdreg.scid  }
0x3: {  	s0 =	sand.u32 $0x1, s1  }
0x4: {  	s18 =	sshll.u32 s0, $0xA;
	s2 =	sadd.s32 s3, s2  }
0x5: {  	s2 =	sadd.s32 s2, s18  }
0x6: {  	[smem:$0x3FC1] =	sst s2  }
0x7: {  	_ = 	snop  }
0x8: {  	s2 =	sld [smem:$0x3FC6];
	(tm) =	ssettm $0x1  }
0x9: {  	s19 =	sld [smem:$0x3FFB];
	_ =	sdelay $0x3  }
0xa: {  	_ =	strace s19  }
0xb: {  	s3 =	sld [smem:$0x3FFC];
	_ =	sdelay $0x3  }
0xc: {  	_ =	strace s3  }
0xd: {  	s3 =	sld [smem:$0x3FFD];
	_ =	sdelay $0x3  }
0xe: {  	_ =	strace s3  }
0xf: {  	_ =	strace $0x8FFFFFFF  }
0x10: {  	s20 =	sld [smem:$0x3FDB];
	_ =	sdelay $0x1  }
0x11: {  	s4 =	simm.s32 $_scs_section_size  }
0x12: {  	s5 =	simm.s32 $_size__tile_overlayer_lowered;
	s6 =	simm.s32 $_tile_overlayer_lowered  }
0x13: {  	s23 =	simm.s32 $0x1BFF;
	s22 =	sshll.u32 s6, $0x1;
	s3 =	sadd.s32 s4, s20  }
0x14: {  	s7 =	simm.s32 $0x0;
	s21 =	sshll.u32 s5, $0x1;
	s5 =	sadd.s32 s22, s3  }
0x15: {  	[timem:s7], [sflag:s23] =	dma.local [hbm:s5], s21  }
0x16: {  	_ =	swait.ge [sflag:s23], s21  }
0x17: {  	s4 =	ssub.s32 $0x0, s21;
	[sflag:s23] =	ssyncset.done $0x0  }
0x18: {  	[sflag:s23] =	ssyncadd.s32 s4;
	_ =	sdelay $0x1  }
0x19: {  	s24 =	simm.s32 $0x1B8B  }
0x1a: {  	_ =	swait.ge [sflag:s24], $0x1  }
0x1b: {  	[sflag:s24] =	ssyncset.done $0x0  }
0x1c: {  	s26 =	simm.s32 $0x1B8E;
	s25 =	sld [smem:$0x3FFE];
	[sflag:s24] =	ssyncadd.s32 $0xFFFFFFFF  }
0x1d: {  	s27 =	simm.s32 $execute0_lowered;
	[smem:$0x3FD2] =	sst s26  }
0x1e: {  	s5 =	sshll.u32 s27, $0x1;
	_ =	strace $0x80000046;
	[dreg:$0x1] =	wrdreg $0xFFFFFFFF  }
0x1f: {  	s28 =	simm.s32 $_size_execute0_lowered;
	s3 =	sadd.s32 s3, s5;
	[dreg:$0x0] =	wrdreg $0x0  }
0x20: {  	s5 =	sshll.u32 s28, $0x1;
	[dreg:$0x2] =	wrdreg s3  }
0x21: {  	[dreg:$0x3] =	wrdreg s5  }
0x22: {  	[dreg:$0x4] =	wrdreg $0xC0  }
0x23: {  	_ =	task [dreg:s7], $0x5FFFF  }
0x24: {  	[dreg:$0x1] =	wrdreg $0xFFFFFFFF  }
0x25: {  	[dreg:$0x0] =	wrdreg $0x60  }
0x26: {  	[dreg:$0x2] =	wrdreg s2  }
0x27: {  	[dreg:$0x3] =	wrdreg s25  }
0x28: {  	[dreg:$0x4] =	wrdreg $0x9  }
0x29: {  	_ =	task.clear_ibuf [dreg:s7], $0x5FFFF;
	_ =	strace $0x90000046  }
0x2a: {  	s29 =	simm.s32 $0x9;
	_ =	strace $0x80000048  }
0x2b: {  	_ =	swait.ge [sflag:s29], $0x1  }
0x2c: {  	[sflag:s29] =	ssyncadd.s32 $0xFFFFFFFF  }
0x2d: {  	_ =	strace $0x90000048  }
0x2e: {  	_ =	sfence  }
0x2f: {  	s30 =	sld [smem:$0x0];
	_ =	sdelay $0x2  }
0x30: {  	s31 =	sshll.u32 s1, $0xD;
	s1 =	sshrl.u32 s1, $0x2  }
0x31: {  	s3 =	sand.u32 $0x4000, s31;
	s1 =	sadd.s32 s1, s30  }
0x32: {  	s0 =	sor.u32 s3, s0;
	s1 =	sshll.u32 s1, $0x11  }
0x33: {  	s0 =	sor.u32 s1, s0  }
0x34: {  	s0 =	sadd.s32 $0x8F2B, s0  }
0x35: {  	[sflag:s0] =	ssyncadd.remote.s32 $0x1  }
0x36: {  	_ =	sfence.sel $0xFFFF  }
0x37: {  	[dreg:$0x0] =	wrdreg $0xFFFFFFFF;
	(pc) =	sbr.abs _section_cstart, $3  }
0x38: {  	[dreg:$0x1] =	wrdreg $0xFFFFFFFF  }
0x39: {  	_ =	task.clear_ibuf [dreg:s7], $0x2FFFF;
	_ =	strace $0x9FFFFFFF  }
0x3a: {  	(tm) =	ssettm $0x7FFFFFFF  }
0x3b: {  	_ =	shalt  }
tec
execute0_lowered:
.L_overlay_start_1:
0x0: {  	(tag) =	ssettag $0x1  }
0x1: {  	s0 =	srdreg.scid  }
0x2: {  	s1 =	sshll.u32 s0, $0x4  }
0x3: {  	s2 =	rddreg [dreg:$0x0];
	s0 =	stileid.u32;
	s1 =	sand.u32 $0x10, s1  }
0x4: {  	s4 =	rddreg [dreg:$0x1];
	s7 =	simm.s32 $0x1;
	s1 =	sor.u32 s0, s1  }
0x5: {  	s8 =	simm.s32 $0x2;
	s9 =	simm.s32 $0x0;
	s3 =	sshll.u32 s1, $0x1  }
0x6: {  	s12 =	simm.s32 $0x0;
	s11 =	simm.s32 $0x0;
	s6 =	ssub.s32 $0x30D4, s3  }
.Ltmp0:
0x7: {  	s4 =	sadd.s32 $0x1000, s4;
	s5 =	sand.u32 $0x3E, s6;
	(pc) =	sbr.rel .LBB1_1-.Ltmp0, $4  }
0x8: {  	s1 =	rddreg [dreg:$0x2];
	_ =	strace $0x80000047;
	p0 =	sne.s32 s5, $0x0  }
0x9: {  	s6 =	sshrl.u32 s6, $0x6;
	s5 =	simm.s32 $0x1;
	s7 =	simm.s32 @!p0 $0x0  }
0xa: {  	s10 =	smov.u32 s3;
	[sflag:s5] =	ssyncpa.u1 $0x0;
	s6 =	sadd.s32 s7, s6  }
0xb: {  	[sflag:s8] =	ssyncpa.u1 $0x0;
	s8 =	simm.s32 $0x0;
	s7 =	sadd.s32 $0x1, s6  }
.LBB1_9:
0xc: {  	s14 =	sadd.s32 $0x40, s10  }
0xd: {  	p1 =	sgt.s32 s14, $0x30D3  }
0xe: {  	s14 =	smov.u32 @p1 s3;
	p1 =	sne.s32 s11, s7  }
.Ltmp1:
0xf: {  	p0 =	slt.u32 s11, $0x2;
	(pc) =	sbr.rel @!p1 .LBB1_10-.Ltmp1, $4  }
0x10: {  	s13 =	simm.s32 @!p0 $0x2  }
0x11: {  	s15 =	sadd.s32 $0x1, s11;
	_ =	swait.ge @!p0 [sflag:s13], $0x4000  }
0x12: {  	s12 =	smov.u32 s10;
	s9 =	sadd.s32 $0x4000, s9;
	[sflag:s13] =	ssyncset.done @!p0 $0x0  }
0x13: {  	s11 =	smov.u32 s15;
	s10 =	smov.u32 s14;
	[sflag:s13] =	ssyncadd.s32 @!p0 $0xFFFFC000  }
.LBB1_1:
0x14: {  	p0 =	sge.u32 s11, s6  }
0x15: {  	s13 =	sxor.u32 @!p0 $0xFFFFFFFF, s11  }
0x16: {  	s31 =	sadd.s32 $0xFFFFFFFF, s11;
	s14 =	sshll.u32 @!p0 s10, $0xA;
	s13 =	sshll.u32 @!p0 s13, $0xE  }
0x17: {  	s15 =	simm.s32 @!p0 $0x0;
	s14 =	sadd.s32 @!p0 s2, s14;
	s13 =	sand.u32 @!p0 $0x4000, s13  }
0x18: {  	[tilespmem:s13], [sflag:$0x1] =	stream.linear.gather @!p0 [hbm4b:s14+s15], $0x4000, $0x38;
	[tilespmem:$0x10000] =	vst v63  }
0x19: {  	p0 =	sge.u32 s31, s6  }
.Ltmp2:
0x1a: {  	_ = 	snop;
	(pc) =	sbr.rel @p0 .LBB1_9-.Ltmp2, $1  }
0x1b: {  	_ =	sdelay $0x3  }
0x1c: {  	s13 =	sshll.u32 s9, $0x2  }
0x1d: {  	_ =	swait.ge [sflag:s5], $0x4000;
	s14 =	sshll.u32 s11, $0xE;
	s16 =	simm.s32 $0x0  }
0x1e: {  	p1 =	por $0x1, $0x1;
	s13 =	sand.u32 $0x10000, s13;
	[sflag:s5] =	ssyncset.done $0x0  }
0x1f: {  	s14 =	sand.u32 $0x4000, s14;
	s15 =	sshrl.u32 s13, $0x2;
	[sflag:s5] =	ssyncadd.s32 $0xFFFFC000  }
0x20: {  	s13 =	sor.u32 $0x8000, s14;
	s14 =	sadd.s32 $0x8040, s15;
	s15 =	sadd.s32 $0x40, s15  }
.LBB1_3:
0x21: {  	s16 =	sshll.u32 s16, $0x2  }
0x22: {  	p0 =	por p1, p1;
	s17 =	sshra.s32 s16, $0x2  }
0x23: {  	s18 =	simm.s32 $0x0;
	s16 =	sadd.s32 s17, s14;
	s17 =	sadd.s32 s17, s15  }
.LBB1_4:
0x24: {  	v0 =	vmov s17;
	_ =	sdelay $0x3  }
0x25: {  	s20 =	simm.s32 $0x0  }
0x26: {  	v6 =	vld.idx.msk [tilespmem:v0+s20+$0x30 ss:$0x1], $0xffff  }
0x27: {  	v7 =	vld.idx.msk [tilespmem:v0+s20+$0xFFFFFFC0 ss:$0x1], $0xffff  }
0x28: {  	v5 =	vld.idx.msk [tilespmem:v0+s20+$0xFFFFFFD0 ss:$0x1], $0xffff  }
0x29: {  	v4 =	vld.idx.msk [tilespmem:v0+s20+$0xFFFFFFE0 ss:$0x1], $0xffff  }
0x2a: {  	v3 =	vld.idx.msk [tilespmem:v0+s20+$0xFFFFFFF0 ss:$0x1], $0xffff  }
0x2b: {  	v1 =	vld.idx.msk [tilespmem:v0+s20+$0x0 ss:$0x1], $0xffff  }
0x2c: {  	v2 =	vld.idx.msk [tilespmem:v0+s20+$0x10 ss:$0x1], $0xffff;
	[tilespmem:s16+$0x30] =	vst v6  }
0x2d: {  	s19 =	simm.s32 $0x80;
	s21 =	simm.s32 $0x400;
	[tilespmem:s16+$0xFFFFFFC0] =	vst v7;
	v6 =	vld.idx.msk [tilespmem:v0+s20+$0x20 ss:$0x1], $0xffff;
	s20 =	smov.u32 s16  }
.LBB1_5:
0x2e: {  	p1 =	sne.s32 s21, $0xE00;
	v7 =	vld.idx.msk [tilespmem:v0+s19+$0x30 ss:$0x1], $0xffff;
	[tilespmem:s20+$0xFFFFFFD0] =	vst v5  }
0x2f: {  	v8 =	vld.idx.msk [tilespmem:v0+s19+$0xFFFFFFC0 ss:$0x1], $0xffff;
	[tilespmem:s20+$0xFFFFFFE0] =	vst v4  }
0x30: {  	v5 =	vld.idx.msk [tilespmem:v0+s19+$0xFFFFFFD0 ss:$0x1], $0xffff;
	[tilespmem:s20+$0xFFFFFFF0] =	vst v3  }
.Ltmp3:
0x31: {  	v4 =	vld.idx.msk [tilespmem:v0+s19+$0xFFFFFFE0 ss:$0x1], $0xffff;
	[tilespmem:s20+$0x0] =	vst v1;
	(pc) =	sbr.rel @p1 .LBB1_5-.Ltmp3, $4  }
0x32: {  	v3 =	vld.idx.msk [tilespmem:v0+s19+$0xFFFFFFF0 ss:$0x1], $0xffff;
	[tilespmem:s20+$0x10] =	vst v2  }
0x33: {  	v1 =	vld.idx.msk [tilespmem:v0+s19+$0x0 ss:$0x1], $0xffff;
	[tilespmem:s20+$0x20] =	vst v6;
	s20 =	sadd.s32 $0x400, s20  }
0x34: {  	v2 =	vld.idx.msk [tilespmem:v0+s19+$0x10 ss:$0x1], $0xffff;
	[tilespmem:s20+$0x30] =	vst v7  }
0x35: {  	[tilespmem:s20+$0xFFFFFFC0] =	vst v8;
	v6 =	vld.idx.msk [tilespmem:v0+s19+$0x20 ss:$0x1], $0xffff;
	s19 =	sshra.s32 s21, $0x2;
	s21 =	sadd.s32 $0x200, s21  }
0x36: {  	_ =	sdelay $0x2  }
0x37: {  	[tilespmem:s20+$0xFFFFFFD0] =	vst v5  }
0x38: {  	v56 =	vld.idx.msk [tilespmem:v0+s19+$0x30 ss:$0x1], $0xffff;
	[tilespmem:s20+$0xFFFFFFE0] =	vst v4  }
0x39: {  	v57 =	vld.idx.msk [tilespmem:v0+s19+$0xFFFFFFC0 ss:$0x1], $0xffff;
	[tilespmem:s20+$0xFFFFFFF0] =	vst v3  }
0x3a: {  	v58 =	vld.idx.msk [tilespmem:v0+s19+$0xFFFFFFD0 ss:$0x1], $0xffff;
	[tilespmem:s20+$0x0] =	vst v1  }
0x3b: {  	v59 =	vld.idx.msk [tilespmem:v0+s19+$0xFFFFFFE0 ss:$0x1], $0xffff;
	[tilespmem:s20+$0x10] =	vst v2  }
0x3c: {  	v60 =	vld.idx.msk [tilespmem:v0+s19+$0xFFFFFFF0 ss:$0x1], $0xffff;
	s31 =	sadd.s32 $0x400, s20;
	[tilespmem:s20+$0x20] =	vst v6  }
0x3d: {  	v61 =	vld.idx.msk [tilespmem:v0+s19+$0x0 ss:$0x1], $0xffff;
	[tilespmem:s31+$0x30] =	vst v56  }
0x3e: {  	v62 =	vld.idx.msk [tilespmem:v0+s19+$0x10 ss:$0x1], $0xffff;
	s18 =	sadd.s32 $0x1, s18;
	[tilespmem:s31+$0xFFFFFFC0] =	vst v57  }
0x3f: {  	v63 =	vld.idx.msk [tilespmem:v0+s19+$0x20 ss:$0x1], $0xffff;
	p1 =	sne.s32 s18, $0x8;
	[tilespmem:s31+$0xFFFFFFD0] =	vst v58  }
.Ltmp4:
0x40: {  	[tilespmem:s31+$0xFFFFFFE0] =	vst v59;
	(pc) =	sbr.rel @p1 .LBB1_4-.Ltmp4, $4  }
0x41: {  	[tilespmem:s31+$0xFFFFFFF0] =	vst v60  }
0x42: {  	[tilespmem:s31+$0x0] =	vst v61  }
0x43: {  	[tilespmem:s31+$0x10] =	vst v62  }
0x44: {  	s16 =	sadd.s32 $0x80, s16;
	s17 =	sadd.s32 $0x400, s17;
	[tilespmem:s31+$0x20] =	vst v63  }
.Ltmp5:
0x45: {  	(pc) =	sbr.rel @p0 .LBB1_3-.Ltmp5, $2  }
0x46: {  	_ =	sdelay $0x2  }
0x47: {  	s16 =	simm.s32 $0x2000;
	p1 =	por $0x0, $0x0  }
.Ltmp6:
0x48: {  	(pc) =	sbr.rel .LBB1_9-.Ltmp6, $4  }
0x49: {  	_ = 	snop  }
0x4a: {  	s12 =	sshll.u32 s12, $0xA  }
0x4b: {  	s12 =	sadd.s32 s4, s12  }
0x4c: {  	[hbm4b:s12+s8] =	stream.linear.scatter [tilespmem:s13], [sflag:$0x2], $0x4000, $0x38;
	[tilespmem:$0x10000] =	vst v63  }
.LBB1_10:
0x4d: {  	_ =	sfence.sel $0x180000  }
0x4e: {  	s2 =	simm.s32 $0x1;
	[bflag:$0x0] =	sbarrier.arrive $0xFFFF  }
0x4f: {  	s31 =	simm.s32 $0x2;
	[sflag:s2] =	ssyncpa.u1 $0x1  }
0x50: {  	[sflag:s31] =	ssyncpa.u1 $0x1  }
0x51: {  	p0 =	sne.s32 s0, $0x0;
	_ =	strace $0x90000047  }
0x52: {  	s0 =	sadd.s32 @!p0 $0x100000, s1;
	[bflag:$0x2] =	sbarrier.arrive $0xFFFF  }
0x53: {  	[sflag:s0] =	ssyncadd.tile.s32 @!p0 $0x1;
	_ =	shalt  }
.Lfunc_end1:
_tile_overlayer_lowered:
.L_overlay_start_2:
0x54: {  	(tag) =	ssettag $0x2  }
0x55: {  	s0 =	rddreg [dreg:$0x0];
	s2 =	stileid.u32  }
0x56: {  	s1 =	rddreg [dreg:$0x1];
	p0 =	sne.s32 s2, $0x0  }
0x57: {  	s3 =	rddreg [dreg:$0x2];
	[bflag:$0x3] =	sbarrier.arrive $0xFFFF;
	s2 =	simm.s32 @!p0 $0x1C01  }
0x58: {  	[timem:s3], [sflag:s2] =	dma.local @!p0 [hbm:s0], s1  }
0x59: {  	s0 =	simm.s32 @!p0 $0x1  }
0x5a: {  	_ =	swait.ge @!p0 [sflag:s0], s1  }
0x5b: {  	s1 =	ssub.s32 @!p0 $0x0, s1;
	[sflag:s0] =	ssyncset.done @!p0 $0x0  }
0x5c: {  	[sflag:s0] =	ssyncadd.s32 @!p0 s1  }
0x5d: {  	[bflag:$0x3] =	sbarrier.arrive $0xFFFF  }
0x5e: {  	_ =	shalt  }

</sc_bundles>
